<compile_context>
chip_gen: v7x
topology: tpu7x:2x2x1
jax: 0.10.2.dev20260603
libtpu: 0.0.44.dev20260713+nightly
codegen_flags: <defaults>
</compile_context>

<pallas_src>
import functools

import jax
import jax.numpy as jnp
from jax import lax
from jax.experimental import pallas as pl
from jax.experimental.pallas import tpu as pltpu
from jax.experimental.pallas import tpu_sc as plsc

_L = 16
_NW = 32
_CP = 1024
_PARTS = 4


def _lse_pad_body(t_ref, lse_ref, pad_ref, hi_ref):
    x = t_ref[...]
    m = jnp.max(x, axis=1)
    s = jnp.sum(jnp.exp(x - m[:, None]), axis=1)
    lse_ref[...] = m + jnp.log(s)
    v = x.shape[0]
    pad_ref[...] = jnp.concatenate(
        [x, jnp.zeros((v, _CP - x.shape[1]), jnp.float32)], axis=1)
    hi_ref[...] = jnp.transpose(x).astype(jnp.bfloat16)


def _mm_body(hi_ref, idx_ref, o_ref):
    v, blk = o_ref.shape
    idx_b = idx_ref[...]
    iot = lax.broadcasted_iota(jnp.int32, (v, blk), 0)
    oh = (iot == idx_b[None, :]).astype(jnp.bfloat16)
    o_ref[...] = lax.dot_general(hi_ref[...], oh, (((1,), (0,)), ((), ())),
                                 preferred_element_type=jnp.float32)


def _mm_tail(hi, idx_flat, col0, n, v, c):
    blk = 512
    grid = (n - col0) // blk
    return pl.pallas_call(
        _mm_body,
        grid=(grid,),
        in_specs=[
            pl.BlockSpec((v, v), lambda i: (0, 0)),
            pl.BlockSpec((blk,), lambda i, c0=col0 // blk: (c0 + i,)),
        ],
        out_specs=pl.BlockSpec(
            (c, blk), lambda i, c0=col0 // blk: (0, c0 + i)),
        out_shape=jax.ShapeDtypeStruct((c, n), jnp.float32),
    )(hi, idx_flat)


def _fin_body(inv_n, p_ref, o_ref):
    o_ref[...] = (jnp.sum(p_ref[...]) * inv_n).reshape(1, 1)


def _tr_body(p_ref, o_ref):
    o_ref[...] = jnp.transpose(p_ref[...])[:o_ref.shape[0], :]


def _tr_body2(p_ref, prev_ref, o_ref):
    del prev_ref
    o_ref[...] = jnp.transpose(p_ref[...])[:o_ref.shape[0], :]


def _transpose_part(pad_part, prev, blk0, n, c):
    blk = 512
    grid = pad_part.shape[0] // blk
    out_spec = pl.BlockSpec((c, blk), lambda i, b0=blk0: (0, b0 + i))
    out_shape = jax.ShapeDtypeStruct((c, n), jnp.float32)
    if prev is None:
        return pl.pallas_call(
            _tr_body,
            grid=(grid,),
            in_specs=[pl.BlockSpec((blk, _CP), lambda i: (i, 0))],
            out_specs=out_spec,
            out_shape=out_shape,
        )(pad_part)
    return pl.pallas_call(
        _tr_body2,
        grid=(grid,),
        in_specs=[
            pl.BlockSpec((blk, _CP), lambda i: (i, 0)),
            pl.BlockSpec(memory_space=pltpu.MemorySpace.HBM),
        ],
        out_specs=out_spec,
        out_shape=out_shape,
        input_output_aliases={1: 0},
    )(pad_part, prev)


def _sc_gather(table_pad, idx_half, n_half):
    b_per_w = n_half // _NW
    ch = 40
    nbuf = 2
    n_rounds = b_per_w // (ch * nbuf)
    mesh = plsc.VectorSubcoreMesh(core_axis_name="c", subcore_axis_name="s")

    @functools.partial(
        pl.kernel,
        out_type=jax.ShapeDtypeStruct((n_half, _CP), jnp.float32),
        mesh=mesh,
        compiler_params=pltpu.CompilerParams(
            needs_layout_passes=False, use_tc_tiling_on_sc=True),
        scratch_types=[
            pltpu.VMEM((b_per_w,), jnp.int32),
            pltpu.VMEM((nbuf, ch, _CP), jnp.float32),
            pltpu.SemaphoreType.DMA,
            pltpu.SemaphoreType.DMA,
            pltpu.SemaphoreType.DMA,
            pltpu.SemaphoreType.DMA,
        ],
    )
    def sc_kernel(tab_hbm, idx_hbm, out_hbm, idx_v, rows_v,
                  gsem0, gsem1, ssem0, ssem1):
        gsems = (gsem0, gsem1)
        ssems = (ssem0, ssem1)
        wid = lax.axis_index("s") * 2 + lax.axis_index("c")
        base = wid * b_per_w
        pltpu.sync_copy(idx_hbm.at[pl.ds(base, b_per_w)], idx_v)

        def start_gather(g, b):
            pltpu.async_copy(
                tab_hbm.at[idx_v.at[pl.ds(g * ch, ch)]],
                rows_v.at[b], gsems[b])

        def wait_gather(b):
            pltpu.make_async_copy(
                tab_hbm.at[idx_v.at[pl.ds(0, ch)]],
                rows_v.at[b], gsems[b]).wait()

        def start_scatter(g, b):
            pltpu.async_copy(
                rows_v.at[b],
                out_hbm.at[pl.ds(base + g * ch, ch)], ssems[b])

        def wait_scatter(b):
            pltpu.make_async_copy(
                rows_v.at[b],
                out_hbm.at[pl.ds(base, ch)], ssems[b]).wait()

        for b in range(nbuf):
            start_gather(b, b)

        def round_body(s, carry):
            g0 = s * nbuf
            for b in range(nbuf):
                wait_gather(b)
                start_scatter(g0 + b, b)
            for b in range(nbuf):
                wait_scatter(b)
                nxt = g0 + b + nbuf

                @pl.when(nxt < n_rounds * nbuf)
                def _():
                    start_gather(nxt, b)
            return carry

        lax.fori_loop(0, n_rounds, round_body, 0)

    return sc_kernel(table_pad, idx_half)


def _sc_loss(table_pick, idx_flat, tgt_flat, lse_table, dep, n, v, c):
    b_per_w = n // _NW
    pk = 80
    n_pk = b_per_w // pk
    lanes = table_pick.shape[1]
    tiles_per_row = _CP // lanes
    mesh = plsc.VectorSubcoreMesh(core_axis_name="c", subcore_axis_name="s")

    @functools.partial(
        pl.kernel,
        out_type=jax.ShapeDtypeStruct((_NW, _L), jnp.float32),
        mesh=mesh,
        compiler_params=pltpu.CompilerParams(
            needs_layout_passes=False, use_tc_tiling_on_sc=False),
        scratch_types=[
            pltpu.VMEM((b_per_w,), jnp.int32),
            pltpu.VMEM((b_per_w,), jnp.int32),
            pltpu.VMEM((v,), jnp.float32),
            pltpu.VMEM((n_pk, pk), jnp.int32),
            pltpu.VMEM((2, pk, lanes), jnp.float32),
            pltpu.VMEM((_L,), jnp.float32),
            pltpu.SemaphoreType.DMA,
            pltpu.SemaphoreType.DMA,
        ],
    )
    def sc_kernel(tabp_hbm, idx_hbm, tgt_hbm, lse_hbm, dep_hbm, part_hbm,
                  idx_v, tgt_v, lse_v, off_v, land_v, acc_v, psem0, psem1):
        del dep_hbm
        psems = (psem0, psem1)
        wid = lax.axis_index("s") * 2 + lax.axis_index("c")
        base = wid * b_per_w
        pltpu.sync_copy(idx_hbm.at[pl.ds(base, b_per_w)], idx_v)
        pltpu.sync_copy(tgt_hbm.at[pl.ds(base, b_per_w)], tgt_v)
        pltpu.sync_copy(lse_hbm, lse_v)

        def off_body(j, _):
            k = j // (pk // _L)
            r = j - k * (pk // _L)
            sl = pl.ds(j * _L, _L)
            off_v[k, pl.ds(r * _L, _L)] = (
                idx_v[sl] * tiles_per_row
                + lax.shift_right_logical(tgt_v[sl], 7))
            return 0
        lax.fori_loop(0, b_per_w // _L, off_body, 0)

        def fire(k, s):
            pltpu.async_copy(
                tabp_hbm.at[off_v.at[k]], land_v.at[s], psems[s])

        def drain(s):
            pltpu.make_async_copy(
                tabp_hbm.at[off_v.at[0]], land_v.at[s], psems[s]).wait()

        fire(0, 0)

        def chunk_body(k2, acc):
            for s in range(2):
                k = k2 * 2 + s

                @pl.when(k + 1 < n_pk)
                def _():
                    fire(k + 1, 1 - s)
                drain(s)

                def loss_body(j, a):
                    sl = pl.ds(k * pk + j * _L, _L)
                    lse16 = plsc.load_gather(lse_v, [idx_v[sl]])
                    r16 = lax.iota(jnp.int32, _L) + j * _L
                    lane16 = lax.bitwise_and(tgt_v[sl], 127)
                    p16 = plsc.load_gather(land_v.at[s], [r16, lane16])
                    return a + (lse16 - p16)

                acc = lax.fori_loop(0, pk // _L, loss_body, acc)
            return acc

        acc = lax.fori_loop(0, n_pk // 2, chunk_body,
                            jnp.zeros((_L,), jnp.float32))
        acc_v[...] = acc
        pltpu.sync_copy(acc_v, part_hbm.at[wid])

    return sc_kernel(table_pick, idx_flat, tgt_flat, lse_table, dep)


def kernel(idx, targets, table):
    b, t = idx.shape
    v, c = table.shape
    n = b * t
    idx_flat = idx.reshape(-1)
    tgt_flat = targets.reshape(-1)

    lse_table, table_pad, t_hi = pl.pallas_call(
        _lse_pad_body,
        out_shape=[
            jax.ShapeDtypeStruct((v,), jnp.float32),
            jax.ShapeDtypeStruct((v, _CP), jnp.float32),
            jax.ShapeDtypeStruct((v, v), jnp.bfloat16),
        ],
    )(table)

    n_sc = 30720
    parts = (15360, 15360)
    logits_t = _mm_tail(t_hi, idx_flat, n_sc, n, v, c)
    pads, off = [], 0
    for p in parts:
        pads.append(_sc_gather(table_pad, idx_flat[off:off + p], p))
        off += p

    table_pick = table_pad.reshape(v * (_CP // 128), 128)
    dep = jax.lax.slice(pads[-1], (0, 0), (8, 128))
    partials = _sc_loss(table_pick, idx_flat, tgt_flat, lse_table,
                        dep, n, v, c)

    off = 0
    for h, p in enumerate(parts):
        logits_t = _transpose_part(pads[h], logits_t, off // 512, n, c)
        off += p
    logits_flat = jnp.transpose(logits_t)

    loss2d = pl.pallas_call(
        functools.partial(_fin_body, 1.0 / n),
        out_shape=jax.ShapeDtypeStruct((1, 1), jnp.float32),
    )(partials)

    return logits_flat, loss2d[0, 0]

# --- scband reference (transcript-rebuilt; emitter-appended) ---
"""Pipeline reference for scband-bigramlanguage-model-79654463471922 (READ-ONLY COPY).

The authoritative reference and input builder live on the scoring server;
editing this copy changes nothing except your own understanding.
"""

import jax, jax.numpy as jnp
import numpy as np

VOCAB = 1000
B = 1024
T = 50

def setup_inputs(seed: int = 0) -> dict:
    key = jax.random.key(seed)
    k1, k2, k3 = jax.random.split(key, 3)
    idx = jax.random.randint(k1, (B, T), 0, VOCAB, dtype=jnp.int32)
    targets = jax.random.randint(k2, (B, T), 0, VOCAB, dtype=jnp.int32)
    table = jax.random.normal(k3, (VOCAB, VOCAB), dtype=jnp.float32) * 0.02
    return {"idx": idx, "targets": targets, "table": table}

def reference(idx, targets, table):
    # logits = token_embedding_table(idx)
    logits = jnp.take(table, idx, axis=0)  # [B, T, VOCAB]
    Bb, Tt, C = logits.shape
    logits_flat = logits.reshape(Bb * Tt, C)
    targets_flat = targets.reshape(-1)
    # F.cross_entropy(logits, targets)
    lse = jax.scipy.special.logsumexp(logits_flat, axis=-1)
    picked = jnp.take_along_axis(logits_flat, targets_flat[:, None], axis=1)[:, 0]
    loss = jnp.mean(lse - picked)
    return (logits_flat, loss)

if __name__ == "__main__":
    import jax
    _d = setup_inputs()
    print(jax.jit(kernel)(*tuple(_d.values())))

</pallas_src>

<mosaic_0001>
#map = affine_map<(d0, d1) -> (0, 0)>
#map1 = affine_map<(d0, d1) -> (0)>
module attributes {stable_mosaic.version = 14 : i64} {
  func.func @sc_kernel(%arg0: i32, %arg1: i32, %arg2: memref<1000x1024xf32, #tpu.memory_space<hbm>>, %arg3: memref<15360xi32, #tpu.memory_space<hbm>>, %arg4: memref<15360x1024xf32, #tpu.memory_space<hbm>>, %arg5: memref<480xi32, #tpu.memory_space<vmem>>, %arg6: memref<2x40x1024xf32, #tpu.memory_space<vmem>>, %arg7: memref<!tpu.dma_semaphore, #tpu.memory_space<semaphore_mem>>, %arg8: memref<!tpu.dma_semaphore, #tpu.memory_space<semaphore_mem>>, %arg9: memref<!tpu.dma_semaphore, #tpu.memory_space<semaphore_mem>>, %arg10: memref<!tpu.dma_semaphore, #tpu.memory_space<semaphore_mem>>) attributes {dimension_semantics = [#tpu.dimension_semantics<core_parallel>, #tpu.dimension_semantics<subcore_parallel>], iteration_bounds = array<i64: 2, 16>, scalar_prefetch = 0 : i64, scratch_operands = 6 : i64, tpu.core_type = #tpu.core_type<sc_vector_subcore>, window_params = [{transform_indices = #map}, {transform_indices = #map1}, {transform_indices = #map}]} {
    %mul3A = arith.constant 2 : i32
    %mul3A_0 = arith.muli %arg1, %mul3A : i32
    %add3A = arith.addi %mul3A_0, %arg0 : i32
    %mul3A_1 = arith.constant 480 : i32
    %mul3A_2 = arith.muli %add3A, %mul3A_1 : i32
    "tpu.region"() ({
      %run_scoped3A = tpu.sem_alloc : memref<!tpu.dma_semaphore, #tpu.memory_space<semaphore_mem>>
      %dma_start3A_27 = tpu.memref_slice %arg3[%mul3A_2] : memref<15360xi32, #tpu.memory_space<hbm>> -> memref<480xi32, #tpu.memory_space<hbm>>
      %dma_start3A_28 = tpu.memref_slice %arg3[%mul3A_2] : memref<15360xi32, #tpu.memory_space<hbm>> -> memref<480xi32, #tpu.memory_space<hbm>>
      tpu.enqueue_dma source(%dma_start3A_28 : memref<480xi32, #tpu.memory_space<hbm>>) target(%arg5 : memref<480xi32, #tpu.memory_space<vmem>>) target_semaphore(%run_scoped3A : memref<!tpu.dma_semaphore, #tpu.memory_space<semaphore_mem>>)
      %dma_wait3A = tpu.memref_slice %arg3[%mul3A_2] : memref<15360xi32, #tpu.memory_space<hbm>> -> memref<480xi32, #tpu.memory_space<hbm>>
      %dma_wait3A_29 = tpu.memref_slice %arg3[%mul3A_2] : memref<15360xi32, #tpu.memory_space<hbm>> -> memref<480xi32, #tpu.memory_space<hbm>>
      tpu.wait_dma2 semaphore(%run_scoped3A : memref<!tpu.dma_semaphore, #tpu.memory_space<semaphore_mem>>) src(%dma_wait3A_29 : memref<480xi32, #tpu.memory_space<hbm>>) dst(%arg5 : memref<480xi32, #tpu.memory_space<vmem>>)
      tpu.yield
    }) : () -> ()
    %dma_start3A = arith.constant 0 : i32
    %dma_start3A_3 = arith.constant 0 : i32
    %dma_start3A_4 = arith.constant 0 : i32
    %dma_start3A_5 = tpu.memref_slice %arg6[%dma_start3A, %dma_start3A_3, %dma_start3A_4] : memref<2x40x1024xf32, #tpu.memory_space<vmem>> -> memref<1x40x1024xf32, #tpu.memory_space<vmem>>
    %dma_start3A_6 = tpu.memref_squeeze %dma_start3A_5 : memref<1x40x1024xf32, #tpu.memory_space<vmem>> -> memref<40x1024xf32, #tpu.memory_space<vmem>>
    %dma_start3A_7 = arith.constant 0 : i32
    %dma_start3A_8 = tpu.memref_slice %arg5[%dma_start3A_7] : memref<480xi32, #tpu.memory_space<vmem>> -> memref<40xi32, #tpu.memory_space<vmem>>
    %dma_start3A_9 = arith.constant 0 : i32
    %dma_start3A_10 = arith.constant 0 : i32
    %dma_start3A_11 = tpu.memref_slice %arg2[%dma_start3A_9, %dma_start3A_10] : memref<1000x1024xf32, #tpu.memory_space<hbm>> -> memref<1000x1024xf32, #tpu.memory_space<hbm>>
    tpu.enqueue_indirect_dma source(%dma_start3A_11 : memref<1000x1024xf32, #tpu.memory_space<hbm>>) target(%dma_start3A_6 : memref<40x1024xf32, #tpu.memory_space<vmem>>) offsets(%dma_start3A_8 : memref<40xi32, #tpu.memory_space<vmem>>) semaphore(%arg7 : memref<!tpu.dma_semaphore, #tpu.memory_space<semaphore_mem>>)
    %dma_start3A_12 = arith.constant 1 : i32
    %dma_start3A_13 = arith.constant 0 : i32
    %dma_start3A_14 = arith.constant 0 : i32
    %dma_start3A_15 = tpu.memref_slice %arg6[%dma_start3A_12, %dma_start3A_13, %dma_start3A_14] : memref<2x40x1024xf32, #tpu.memory_space<vmem>> -> memref<1x40x1024xf32, #tpu.memory_space<vmem>>
    %dma_start3A_16 = tpu.memref_squeeze %dma_start3A_15 : memref<1x40x1024xf32, #tpu.memory_space<vmem>> -> memref<40x1024xf32, #tpu.memory_space<vmem>>
    %dma_start3A_17 = arith.constant 40 : i32
    %dma_start3A_18 = tpu.memref_slice %arg5[%dma_start3A_17] : memref<480xi32, #tpu.memory_space<vmem>> -> memref<40xi32, #tpu.memory_space<vmem>>
    %dma_start3A_19 = arith.constant 0 : i32
    %dma_start3A_20 = arith.constant 0 : i32
    %dma_start3A_21 = tpu.memref_slice %arg2[%dma_start3A_19, %dma_start3A_20] : memref<1000x1024xf32, #tpu.memory_space<hbm>> -> memref<1000x1024xf32, #tpu.memory_space<hbm>>
    tpu.enqueue_indirect_dma source(%dma_start3A_21 : memref<1000x1024xf32, #tpu.memory_space<hbm>>) target(%dma_start3A_16 : memref<40x1024xf32, #tpu.memory_space<vmem>>) offsets(%dma_start3A_18 : memref<40xi32, #tpu.memory_space<vmem>>) semaphore(%arg8 : memref<!tpu.dma_semaphore, #tpu.memory_space<semaphore_mem>>)
    %scan3A = arith.constant 0 : i32
    %scan3A_22 = arith.constant 0 : i32
    %scan3A_23 = arith.constant 6 : i32
    %scan3A_24 = arith.addi %scan3A_22, %scan3A_23 : i32
    %scan3A_25 = arith.constant 1 : i32
    scf.for %scan3A_27 = %scan3A_22 to %scan3A_24 step %scan3A_25  : i32 {
      %mul3A_28 = arith.constant 2 : i32
      %mul3A_29 = arith.muli %scan3A_27, %mul3A_28 : i32
      %dma_wait3A = arith.constant 0 : i32
      %dma_wait3A_30 = arith.constant 0 : i32
      %dma_wait3A_31 = arith.constant 0 : i32
      %dma_wait3A_32 = tpu.memref_slice %arg6[%dma_wait3A, %dma_wait3A_30, %dma_wait3A_31] : memref<2x40x1024xf32, #tpu.memory_space<vmem>> -> memref<1x40x1024xf32, #tpu.memory_space<vmem>>
      %dma_wait3A_33 = tpu.memref_squeeze %dma_wait3A_32 : memref<1x40x1024xf32, #tpu.memory_space<vmem>> -> memref<40x1024xf32, #tpu.memory_space<vmem>>
      %dma_wait3A_34 = arith.constant 0 : i32
      %dma_wait3A_35 = tpu.memref_slice %arg5[%dma_wait3A_34] : memref<480xi32, #tpu.memory_space<vmem>> -> memref<40xi32, #tpu.memory_space<vmem>>
      %dma_wait3A_36 = arith.constant 0 : i32
      %dma_wait3A_37 = arith.constant 0 : i32
      %dma_wait3A_38 = tpu.memref_slice %arg2[%dma_wait3A_36, %dma_wait3A_37] : memref<1000x1024xf32, #tpu.memory_space<hbm>> -> memref<1000x1024xf32, #tpu.memory_space<hbm>>
      tpu.wait_indirect_dma semaphore(%arg7 : memref<!tpu.dma_semaphore, #tpu.memory_space<semaphore_mem>>) src(%dma_wait3A_38 : memref<1000x1024xf32, #tpu.memory_space<hbm>>) dst(%dma_wait3A_33 : memref<40x1024xf32, #tpu.memory_space<vmem>>)
      %add3A_39 = arith.constant 0 : i32
      %add3A_40 = arith.addi %mul3A_29, %add3A_39 : i32
      %mul3A_41 = arith.constant 40 : i32
      %mul3A_42 = arith.muli %add3A_40, %mul3A_41 : i32
      %add3A_43 = arith.addi %mul3A_2, %mul3A_42 : i32
      %dma_start3A_44 = arith.constant 0 : i32
      %dma_start3A_45 = arith.constant 0 : i32
      %dma_start3A_46 = arith.constant 0 : i32
      %dma_start3A_47 = tpu.memref_slice %arg6[%dma_start3A_44, %dma_start3A_45, %dma_start3A_46] : memref<2x40x1024xf32, #tpu.memory_space<vmem>> -> memref<1x40x1024xf32, #tpu.memory_space<vmem>>
      %dma_start3A_48 = tpu.memref_squeeze %dma_start3A_47 : memref<1x40x1024xf32, #tpu.memory_space<vmem>> -> memref<40x1024xf32, #tpu.memory_space<vmem>>
      %dma_start3A_49 = arith.constant 0 : i32
      %dma_start3A_50 = tpu.memref_slice %arg4[%add3A_43, %dma_start3A_49] : memref<15360x1024xf32, #tpu.memory_space<hbm>> -> memref<40x1024xf32, #tpu.memory_space<hbm>>
      %dma_start3A_51 = arith.constant 0 : i32
      %dma_start3A_52 = tpu.memref_slice %arg4[%add3A_43, %dma_start3A_51] : memref<15360x1024xf32, #tpu.memory_space<hbm>> -> memref<40x1024xf32, #tpu.memory_space<hbm>>
      %dma_start3A_53 = arith.constant 0 : i32
      %dma_start3A_54 = arith.constant 0 : i32
      %dma_start3A_55 = tpu.memref_slice %arg6[%dma_start3A_44, %dma_start3A_53, %dma_start3A_54] : memref<2x40x1024xf32, #tpu.memory_space<vmem>> -> memref<1x40x1024xf32, #tpu.memory_space<vmem>>
      %dma_start3A_56 = tpu.memref_squeeze %dma_start3A_55 : memref<1x40x1024xf32, #tpu.memory_space<vmem>> -> memref<40x1024xf32, #tpu.memory_space<vmem>>
      tpu.enqueue_dma source(%dma_start3A_56 : memref<40x1024xf32, #tpu.memory_space<vmem>>) target(%dma_start3A_52 : memref<40x1024xf32, #tpu.memory_space<hbm>>) target_semaphore(%arg9 : memref<!tpu.dma_semaphore, #tpu.memory_space<semaphore_mem>>)
      %dma_wait3A_57 = arith.constant 1 : i32
      %dma_wait3A_58 = arith.constant 0 : i32
      %dma_wait3A_59 = arith.constant 0 : i32
      %dma_wait3A_60 = tpu.memref_slice %arg6[%dma_wait3A_57, %dma_wait3A_58, %dma_wait3A_59] : memref<2x40x1024xf32, #tpu.memory_space<vmem>> -> memref<1x40x1024xf32, #tpu.memory_space<vmem>>
      %dma_wait3A_61 = tpu.memref_squeeze %dma_wait3A_60 : memref<1x40x1024xf32, #tpu.memory_space<vmem>> -> memref<40x1024xf32, #tpu.memory_space<vmem>>
      %dma_wait3A_62 = arith.constant 0 : i32
      %dma_wait3A_63 = tpu.memref_slice %arg5[%dma_wait3A_62] : memref<480xi32, #tpu.memory_space<vmem>> -> memref<40xi32, #tpu.memory_space<vmem>>
      %dma_wait3A_64 = arith.constant 0 : i32
      %dma_wait3A_65 = arith.constant 0 : i32
      %dma_wait3A_66 = tpu.memref_slice %arg2[%dma_wait3A_64, %dma_wait3A_65] : memref<1000x1024xf32, #tpu.memory_space<hbm>> -> memref<1000x1024xf32, #tpu.memory_space<hbm>>
      tpu.wait_indirect_dma semaphore(%arg8 : memref<!tpu.dma_semaphore, #tpu.memory_space<semaphore_mem>>) src(%dma_wait3A_66 : memref<1000x1024xf32, #tpu.memory_space<hbm>>) dst(%dma_wait3A_61 : memref<40x1024xf32, #tpu.memory_space<vmem>>)
      %add3A_67 = arith.constant 1 : i32
      %add3A_68 = arith.addi %mul3A_29, %add3A_67 : i32
      %mul3A_69 = arith.constant 40 : i32
      %mul3A_70 = arith.muli %add3A_68, %mul3A_69 : i32
      %add3A_71 = arith.addi %mul3A_2, %mul3A_70 : i32
      %dma_start3A_72 = arith.constant 1 : i32
      %dma_start3A_73 = arith.constant 0 : i32
      %dma_start3A_74 = arith.constant 0 : i32
      %dma_start3A_75 = tpu.memref_slice %arg6[%dma_start3A_72, %dma_start3A_73, %dma_start3A_74] : memref<2x40x1024xf32, #tpu.memory_space<vmem>> -> memref<1x40x1024xf32, #tpu.memory_space<vmem>>
      %dma_start3A_76 = tpu.memref_squeeze %dma_start3A_75 : memref<1x40x1024xf32, #tpu.memory_space<vmem>> -> memref<40x1024xf32, #tpu.memory_space<vmem>>
      %dma_start3A_77 = arith.constant 0 : i32
      %dma_start3A_78 = tpu.memref_slice %arg4[%add3A_71, %dma_start3A_77] : memref<15360x1024xf32, #tpu.memory_space<hbm>> -> memref<40x1024xf32, #tpu.memory_space<hbm>>
      %dma_start3A_79 = arith.constant 0 : i32
      %dma_start3A_80 = tpu.memref_slice %arg4[%add3A_71, %dma_start3A_79] : memref<15360x1024xf32, #tpu.memory_space<hbm>> -> memref<40x1024xf32, #tpu.memory_space<hbm>>
      %dma_start3A_81 = arith.constant 0 : i32
      %dma_start3A_82 = arith.constant 0 : i32
      %dma_start3A_83 = tpu.memref_slice %arg6[%dma_start3A_72, %dma_start3A_81, %dma_start3A_82] : memref<2x40x1024xf32, #tpu.memory_space<vmem>> -> memref<1x40x1024xf32, #tpu.memory_space<vmem>>
      %dma_start3A_84 = tpu.memref_squeeze %dma_start3A_83 : memref<1x40x1024xf32, #tpu.memory_space<vmem>> -> memref<40x1024xf32, #tpu.memory_space<vmem>>
      tpu.enqueue_dma source(%dma_start3A_84 : memref<40x1024xf32, #tpu.memory_space<vmem>>) target(%dma_start3A_80 : memref<40x1024xf32, #tpu.memory_space<hbm>>) target_semaphore(%arg10 : memref<!tpu.dma_semaphore, #tpu.memory_space<semaphore_mem>>)
      %dma_wait3A_85 = arith.constant 0 : i32
      %dma_wait3A_86 = arith.constant 0 : i32
      %dma_wait3A_87 = arith.constant 0 : i32
      %dma_wait3A_88 = tpu.memref_slice %arg6[%dma_wait3A_85, %dma_wait3A_86, %dma_wait3A_87] : memref<2x40x1024xf32, #tpu.memory_space<vmem>> -> memref<1x40x1024xf32, #tpu.memory_space<vmem>>
      %dma_wait3A_89 = tpu.memref_squeeze %dma_wait3A_88 : memref<1x40x1024xf32, #tpu.memory_space<vmem>> -> memref<40x1024xf32, #tpu.memory_space<vmem>>
      %dma_wait3A_90 = arith.constant 0 : i32
      %dma_wait3A_91 = tpu.memref_slice %arg4[%mul3A_2, %dma_wait3A_90] : memref<15360x1024xf32, #tpu.memory_space<hbm>> -> memref<40x1024xf32, #tpu.memory_space<hbm>>
      %dma_wait3A_92 = arith.constant 0 : i32
      %dma_wait3A_93 = tpu.memref_slice %arg4[%mul3A_2, %dma_wait3A_92] : memref<15360x1024xf32, #tpu.memory_space<hbm>> -> memref<40x1024xf32, #tpu.memory_space<hbm>>
      %dma_wait3A_94 = arith.constant 0 : i32
      %dma_wait3A_95 = arith.constant 0 : i32
      %dma_wait3A_96 = tpu.memref_slice %arg6[%dma_wait3A_85, %dma_wait3A_94, %dma_wait3A_95] : memref<2x40x1024xf32, #tpu.memory_space<vmem>> -> memref<1x40x1024xf32, #tpu.memory_space<vmem>>
      %dma_wait3A_97 = tpu.memref_squeeze %dma_wait3A_96 : memref<1x40x1024xf32, #tpu.memory_space<vmem>> -> memref<40x1024xf32, #tpu.memory_space<vmem>>
      tpu.wait_dma2 semaphore(%arg9 : memref<!tpu.dma_semaphore, #tpu.memory_space<semaphore_mem>>) src(%dma_wait3A_97 : memref<40x1024xf32, #tpu.memory_space<vmem>>) dst(%dma_wait3A_93 : memref<40x1024xf32, #tpu.memory_space<hbm>>)
      %add3A_98 = arith.constant 0 : i32
      %add3A_99 = arith.addi %mul3A_29, %add3A_98 : i32
      %add3A_100 = arith.constant 2 : i32
      %add3A_101 = arith.addi %add3A_99, %add3A_100 : i32
      %lt3A = arith.constant 12 : i32
      %lt3A_102 = arith.cmpi slt, %add3A_101, %lt3A : i32
      %convert_element_type3A = arith.extui %lt3A_102 : i1 to i32
      %cond3A = arith.constant 0 : i32
      %cond3A_103 = arith.cmpi ne, %convert_element_type3A, %cond3A : i32
      scf.if %cond3A_103 {
        %mul3A_126 = arith.constant 40 : i32
        %mul3A_127 = arith.muli %add3A_101, %mul3A_126 : i32
        %dma_start3A_128 = arith.constant 0 : i32
        %dma_start3A_129 = arith.constant 0 : i32
        %dma_start3A_130 = arith.constant 0 : i32
        %dma_start3A_131 = tpu.memref_slice %arg6[%dma_start3A_128, %dma_start3A_129, %dma_start3A_130] : memref<2x40x1024xf32, #tpu.memory_space<vmem>> -> memref<1x40x1024xf32, #tpu.memory_space<vmem>>
        %dma_start3A_132 = tpu.memref_squeeze %dma_start3A_131 : memref<1x40x1024xf32, #tpu.memory_space<vmem>> -> memref<40x1024xf32, #tpu.memory_space<vmem>>
        %dma_start3A_133 = tpu.memref_slice %arg5[%mul3A_127] : memref<480xi32, #tpu.memory_space<vmem>> -> memref<40xi32, #tpu.memory_space<vmem>>
        %dma_start3A_134 = arith.constant 0 : i32
        %dma_start3A_135 = arith.constant 0 : i32
        %dma_start3A_136 = tpu.memref_slice %arg2[%dma_start3A_134, %dma_start3A_135] : memref<1000x1024xf32, #tpu.memory_space<hbm>> -> memref<1000x1024xf32, #tpu.memory_space<hbm>>
        tpu.enqueue_indirect_dma source(%dma_start3A_136 : memref<1000x1024xf32, #tpu.memory_space<hbm>>) target(%dma_start3A_132 : memref<40x1024xf32, #tpu.memory_space<vmem>>) offsets(%dma_start3A_133 : memref<40xi32, #tpu.memory_space<vmem>>) semaphore(%arg7 : memref<!tpu.dma_semaphore, #tpu.memory_space<semaphore_mem>>)
      } else {
      }
      %dma_wait3A_104 = arith.constant 1 : i32
      %dma_wait3A_105 = arith.constant 0 : i32
      %dma_wait3A_106 = arith.constant 0 : i32
      %dma_wait3A_107 = tpu.memref_slice %arg6[%dma_wait3A_104, %dma_wait3A_105, %dma_wait3A_106] : memref<2x40x1024xf32, #tpu.memory_space<vmem>> -> memref<1x40x1024xf32, #tpu.memory_space<vmem>>
      %dma_wait3A_108 = tpu.memref_squeeze %dma_wait3A_107 : memref<1x40x1024xf32, #tpu.memory_space<vmem>> -> memref<40x1024xf32, #tpu.memory_space<vmem>>
      %dma_wait3A_109 = arith.constant 0 : i32
      %dma_wait3A_110 = tpu.memref_slice %arg4[%mul3A_2, %dma_wait3A_109] : memref<15360x1024xf32, #tpu.memory_space<hbm>> -> memref<40x1024xf32, #tpu.memory_space<hbm>>
      %dma_wait3A_111 = arith.constant 0 : i32
      %dma_wait3A_112 = tpu.memref_slice %arg4[%mul3A_2, %dma_wait3A_111] : memref<15360x1024xf32, #tpu.memory_space<hbm>> -> memref<40x1024xf32, #tpu.memory_space<hbm>>
      %dma_wait3A_113 = arith.constant 0 : i32
      %dma_wait3A_114 = arith.constant 0 : i32
      %dma_wait3A_115 = tpu.memref_slice %arg6[%dma_wait3A_104, %dma_wait3A_113, %dma_wait3A_114] : memref<2x40x1024xf32, #tpu.memory_space<vmem>> -> memref<1x40x1024xf32, #tpu.memory_space<vmem>>
      %dma_wait3A_116 = tpu.memref_squeeze %dma_wait3A_115 : memref<1x40x1024xf32, #tpu.memory_space<vmem>> -> memref<40x1024xf32, #tpu.memory_space<vmem>>
      tpu.wait_dma2 semaphore(%arg10 : memref<!tpu.dma_semaphore, #tpu.memory_space<semaphore_mem>>) src(%dma_wait3A_116 : memref<40x1024xf32, #tpu.memory_space<vmem>>) dst(%dma_wait3A_112 : memref<40x1024xf32, #tpu.memory_space<hbm>>)
      %add3A_117 = arith.constant 1 : i32
      %add3A_118 = arith.addi %mul3A_29, %add3A_117 : i32
      %add3A_119 = arith.constant 2 : i32
      %add3A_120 = arith.addi %add3A_118, %add3A_119 : i32
      %lt3A_121 = arith.constant 12 : i32
      %lt3A_122 = arith.cmpi slt, %add3A_120, %lt3A_121 : i32
      %convert_element_type3A_123 = arith.extui %lt3A_122 : i1 to i32
      %cond3A_124 = arith.constant 0 : i32
      %cond3A_125 = arith.cmpi ne, %convert_element_type3A_123, %cond3A_124 : i32
      scf.if %cond3A_125 {
        %mul3A_126 = arith.constant 40 : i32
        %mul3A_127 = arith.muli %add3A_120, %mul3A_126 : i32
        %dma_start3A_128 = arith.constant 1 : i32
        %dma_start3A_129 = arith.constant 0 : i32
        %dma_start3A_130 = arith.constant 0 : i32
        %dma_start3A_131 = tpu.memref_slice %arg6[%dma_start3A_128, %dma_start3A_129, %dma_start3A_130] : memref<2x40x1024xf32, #tpu.memory_space<vmem>> -> memref<1x40x1024xf32, #tpu.memory_space<vmem>>
        %dma_start3A_132 = tpu.memref_squeeze %dma_start3A_131 : memref<1x40x1024xf32, #tpu.memory_space<vmem>> -> memref<40x1024xf32, #tpu.memory_space<vmem>>
        %dma_start3A_133 = tpu.memref_slice %arg5[%mul3A_127] : memref<480xi32, #tpu.memory_space<vmem>> -> memref<40xi32, #tpu.memory_space<vmem>>
        %dma_start3A_134 = arith.constant 0 : i32
        %dma_start3A_135 = arith.constant 0 : i32
        %dma_start3A_136 = tpu.memref_slice %arg2[%dma_start3A_134, %dma_start3A_135] : memref<1000x1024xf32, #tpu.memory_space<hbm>> -> memref<1000x1024xf32, #tpu.memory_space<hbm>>
        tpu.enqueue_indirect_dma source(%dma_start3A_136 : memref<1000x1024xf32, #tpu.memory_space<hbm>>) target(%dma_start3A_132 : memref<40x1024xf32, #tpu.memory_space<vmem>>) offsets(%dma_start3A_133 : memref<40xi32, #tpu.memory_space<vmem>>) semaphore(%arg8 : memref<!tpu.dma_semaphore, #tpu.memory_space<semaphore_mem>>)
      } else {
      }
    }
    %scan3A_26 = arith.constant 6 : i32
    return
  }
}

#map = affine_map<(d0, d1) -> (0, 0)>
#map1 = affine_map<(d0, d1) -> (0)>
module attributes {stable_mosaic.version = 14 : i64} {
  func.func @sc_kernel(%arg0: i32, %arg1: i32, %arg2: memref<8000x128xf32, #tpu.memory_space<hbm>>, %arg3: memref<51200xi32, #tpu.memory_space<hbm>>, %arg4: memref<51200xi32, #tpu.memory_space<hbm>>, %arg5: memref<1000xf32, #tpu.memory_space<hbm>>, %arg6: memref<8x128xf32, #tpu.memory_space<hbm>>, %arg7: memref<32x16xf32, #tpu.memory_space<hbm>>, %arg8: memref<1600xi32, #tpu.memory_space<vmem>>, %arg9: memref<1600xi32, #tpu.memory_space<vmem>>, %arg10: memref<1000xf32, #tpu.memory_space<vmem>>, %arg11: memref<20x80xi32, #tpu.memory_space<vmem>>, %arg12: memref<2x80x128xf32, #tpu.memory_space<vmem>>, %arg13: memref<16xf32, #tpu.memory_space<vmem>>, %arg14: memref<!tpu.dma_semaphore, #tpu.memory_space<semaphore_mem>>, %arg15: memref<!tpu.dma_semaphore, #tpu.memory_space<semaphore_mem>>) attributes {dimension_semantics = [#tpu.dimension_semantics<core_parallel>, #tpu.dimension_semantics<subcore_parallel>], iteration_bounds = array<i64: 2, 16>, scalar_prefetch = 0 : i64, scratch_operands = 8 : i64, tpu.core_type = #tpu.core_type<sc_vector_subcore>, window_params = [{transform_indices = #map}, {transform_indices = #map1}, {transform_indices = #map1}, {transform_indices = #map1}, {transform_indices = #map}, {transform_indices = #map}]} {
    %mul3A = arith.constant 2 : i32
    %mul3A_0 = arith.muli %arg1, %mul3A : i32
    %add3A = arith.addi %mul3A_0, %arg0 : i32
    %mul3A_1 = arith.constant 1600 : i32
    %mul3A_2 = arith.muli %add3A, %mul3A_1 : i32
    "tpu.region"() ({
      %run_scoped3A = tpu.sem_alloc : memref<!tpu.dma_semaphore, #tpu.memory_space<semaphore_mem>>
      %dma_start3A_28 = tpu.memref_slice %arg3[%mul3A_2] : memref<51200xi32, #tpu.memory_space<hbm>> -> memref<1600xi32, #tpu.memory_space<hbm>>
      %dma_start3A_29 = tpu.memref_slice %arg3[%mul3A_2] : memref<51200xi32, #tpu.memory_space<hbm>> -> memref<1600xi32, #tpu.memory_space<hbm>>
      tpu.enqueue_dma source(%dma_start3A_29 : memref<1600xi32, #tpu.memory_space<hbm>>) target(%arg8 : memref<1600xi32, #tpu.memory_space<vmem>>) target_semaphore(%run_scoped3A : memref<!tpu.dma_semaphore, #tpu.memory_space<semaphore_mem>>)
      %dma_wait3A = tpu.memref_slice %arg3[%mul3A_2] : memref<51200xi32, #tpu.memory_space<hbm>> -> memref<1600xi32, #tpu.memory_space<hbm>>
      %dma_wait3A_30 = tpu.memref_slice %arg3[%mul3A_2] : memref<51200xi32, #tpu.memory_space<hbm>> -> memref<1600xi32, #tpu.memory_space<hbm>>
      tpu.wait_dma2 semaphore(%run_scoped3A : memref<!tpu.dma_semaphore, #tpu.memory_space<semaphore_mem>>) src(%dma_wait3A_30 : memref<1600xi32, #tpu.memory_space<hbm>>) dst(%arg8 : memref<1600xi32, #tpu.memory_space<vmem>>)
      tpu.yield
    }) : () -> ()
    "tpu.region"() ({
      %run_scoped3A = tpu.sem_alloc : memref<!tpu.dma_semaphore, #tpu.memory_space<semaphore_mem>>
      %dma_start3A_28 = tpu.memref_slice %arg4[%mul3A_2] : memref<51200xi32, #tpu.memory_space<hbm>> -> memref<1600xi32, #tpu.memory_space<hbm>>
      %dma_start3A_29 = tpu.memref_slice %arg4[%mul3A_2] : memref<51200xi32, #tpu.memory_space<hbm>> -> memref<1600xi32, #tpu.memory_space<hbm>>
      tpu.enqueue_dma source(%dma_start3A_29 : memref<1600xi32, #tpu.memory_space<hbm>>) target(%arg9 : memref<1600xi32, #tpu.memory_space<vmem>>) target_semaphore(%run_scoped3A : memref<!tpu.dma_semaphore, #tpu.memory_space<semaphore_mem>>)
      %dma_wait3A = tpu.memref_slice %arg4[%mul3A_2] : memref<51200xi32, #tpu.memory_space<hbm>> -> memref<1600xi32, #tpu.memory_space<hbm>>
      %dma_wait3A_30 = tpu.memref_slice %arg4[%mul3A_2] : memref<51200xi32, #tpu.memory_space<hbm>> -> memref<1600xi32, #tpu.memory_space<hbm>>
      tpu.wait_dma2 semaphore(%run_scoped3A : memref<!tpu.dma_semaphore, #tpu.memory_space<semaphore_mem>>) src(%dma_wait3A_30 : memref<1600xi32, #tpu.memory_space<hbm>>) dst(%arg9 : memref<1600xi32, #tpu.memory_space<vmem>>)
      tpu.yield
    }) : () -> ()
    "tpu.region"() ({
      %run_scoped3A = tpu.sem_alloc : memref<!tpu.dma_semaphore, #tpu.memory_space<semaphore_mem>>
      tpu.enqueue_dma source(%arg5 : memref<1000xf32, #tpu.memory_space<hbm>>) target(%arg10 : memref<1000xf32, #tpu.memory_space<vmem>>) target_semaphore(%run_scoped3A : memref<!tpu.dma_semaphore, #tpu.memory_space<semaphore_mem>>)
      tpu.wait_dma2 semaphore(%run_scoped3A : memref<!tpu.dma_semaphore, #tpu.memory_space<semaphore_mem>>) src(%arg5 : memref<1000xf32, #tpu.memory_space<hbm>>) dst(%arg10 : memref<1000xf32, #tpu.memory_space<vmem>>)
      tpu.yield
    }) : () -> ()
    %scan3A = arith.constant 0 : i32
    %scan3A_3 = arith.constant 0 : i32
    %scan3A_4 = arith.constant 100 : i32
    %scan3A_5 = arith.addi %scan3A_3, %scan3A_4 : i32
    %scan3A_6 = arith.constant 1 : i32
    %scan3A_7 = scf.for %scan3A_28 = %scan3A_3 to %scan3A_5 step %scan3A_6 iter_args(%scan3A_29 = %scan3A) -> (i32)  : i32 {
      %jit3A = arith.constant 5 : i32
      %div3A = arith.divsi %scan3A_28, %jit3A : i32
      %sign3A = arith.constant 0 : i32
      %sign3A_30 = arith.cmpi sgt, %scan3A_28, %sign3A : i32
      %sign3A_31 = arith.extui %sign3A_30 : i1 to i32
      %sign3A_32 = arith.constant 0 : i32
      %sign3A_33 = arith.cmpi slt, %scan3A_28, %sign3A_32 : i32
      %sign3A_34 = arith.extui %sign3A_33 : i1 to i32
      %sign3A_35 = arith.subi %sign3A_31, %sign3A_34 : i32
      %sign3A_36 = arith.constant 0 : i32
      %sign3A_37 = arith.cmpi sgt, %jit3A, %sign3A_36 : i32
      %sign3A_38 = arith.extui %sign3A_37 : i1 to i32
      %sign3A_39 = arith.constant 0 : i32
      %sign3A_40 = arith.cmpi slt, %jit3A, %sign3A_39 : i32
      %sign3A_41 = arith.extui %sign3A_40 : i1 to i32
      %sign3A_42 = arith.subi %sign3A_38, %sign3A_41 : i32
      %ne3A = arith.cmpi ne, %sign3A_35, %sign3A_42 : i32
      %rem3A = arith.remsi %scan3A_28, %jit3A : i32
      %ne3A_43 = arith.constant 0 : i32
      %ne3A_44 = arith.cmpi ne, %rem3A, %ne3A_43 : i32
      %and3A = arith.andi %ne3A, %ne3A_44 : i1
      %sub3A = arith.constant 1 : i32
      %sub3A_45 = arith.subi %div3A, %sub3A : i32
      %select_n3A = arith.select %and3A, %sub3A_45, %div3A : i32
      %mul3A_46 = arith.constant 5 : i32
      %mul3A_47 = arith.muli %select_n3A, %mul3A_46 : i32
      %sub3A_48 = arith.subi %scan3A_28, %mul3A_47 : i32
      %mul3A_49 = arith.constant 16 : i32
      %mul3A_50 = arith.muli %scan3A_28, %mul3A_49 : i32
      %get3A = arith.index_cast %mul3A_50 : i32 to index
      %get3A_51 = tpu.vector_load %arg8[%get3A] {strides = array<i32>} : memref<1600xi32, #tpu.memory_space<vmem>>, vector<16xi32>,
      %mul3A_52 = arith.constant 8 : i32
      %mul3A_53 = vector.broadcast %mul3A_52 : i32 to vector<16xi32>
      %mul3A_54 = arith.muli %get3A_51, %mul3A_53 : vector<16xi32>
      %get3A_55 = arith.index_cast %mul3A_50 : i32 to index
      %get3A_56 = tpu.vector_load %arg9[%get3A_55] {strides = array<i32>} : memref<1600xi32, #tpu.memory_space<vmem>>, vector<16xi32>,
      %shift_right_logical3A = arith.constant 7 : i32
      %shift_right_logical3A_57 = vector.broadcast %shift_right_logical3A : i32 to vector<16xi32>
      %shift_right_logical3A_58 = arith.shrui %get3A_56, %shift_right_logical3A_57 : vector<16xi32>
      %add3A_59 = arith.addi %mul3A_54, %shift_right_logical3A_58 : vector<16xi32>
      %mul3A_60 = arith.constant 16 : i32
      %mul3A_61 = arith.muli %sub3A_48, %mul3A_60 : i32
      %swap3A_62 = arith.index_cast %select_n3A : i32 to index
      %swap3A_63 = arith.index_cast %mul3A_61 : i32 to index
      %swap3A_64 = tpu.vector_load %arg11[%swap3A_62, %swap3A_63] {strides = array<i32>} : memref<20x80xi32, #tpu.memory_space<vmem>>, vector<16xi32>,
      tpu.vector_store %arg11[%swap3A_62, %swap3A_63], %add3A_59 {strides = array<i32>} : memref<20x80xi32, #tpu.memory_space<vmem>>, vector<16xi32>,
      %scan3A_65 = arith.constant 0 : i32
      scf.yield %scan3A_65 : i32
    }
    %scan3A_8 = arith.constant 100 : i32
    %dma_start3A = arith.constant 0 : i32
    %dma_start3A_9 = arith.constant 0 : i32
    %dma_start3A_10 = arith.constant 0 : i32
    %dma_start3A_11 = arith.constant 0 : i32
    %dma_start3A_12 = tpu.memref_slice %arg12[%dma_start3A_9, %dma_start3A_10, %dma_start3A_11] : memref<2x80x128xf32, #tpu.memory_space<vmem>> -> memref<1x80x128xf32, #tpu.memory_space<vmem>>
    %dma_start3A_13 = tpu.memref_squeeze %dma_start3A_12 : memref<1x80x128xf32, #tpu.memory_space<vmem>> -> memref<80x128xf32, #tpu.memory_space<vmem>>
    %dma_start3A_14 = arith.constant 0 : i32
    %dma_start3A_15 = tpu.memref_slice %arg11[%dma_start3A, %dma_start3A_14] : memref<20x80xi32, #tpu.memory_space<vmem>> -> memref<1x80xi32, #tpu.memory_space<vmem>>
    %dma_start3A_16 = tpu.memref_squeeze %dma_start3A_15 : memref<1x80xi32, #tpu.memory_space<vmem>> -> memref<80xi32, #tpu.memory_space<vmem>>
    %dma_start3A_17 = arith.constant 0 : i32
    %dma_start3A_18 = arith.constant 0 : i32
    %dma_start3A_19 = tpu.memref_slice %arg2[%dma_start3A_17, %dma_start3A_18] : memref<8000x128xf32, #tpu.memory_space<hbm>> -> memref<8000x128xf32, #tpu.memory_space<hbm>>
    tpu.enqueue_indirect_dma source(%dma_start3A_19 : memref<8000x128xf32, #tpu.memory_space<hbm>>) target(%dma_start3A_13 : memref<80x128xf32, #tpu.memory_space<vmem>>) offsets(%dma_start3A_16 : memref<80xi32, #tpu.memory_space<vmem>>) semaphore(%arg14 : memref<!tpu.dma_semaphore, #tpu.memory_space<semaphore_mem>>)
    %broadcast_in_dim3A = arith.constant 0.000000e+00 : f32
    %broadcast_in_dim3A_20 = vector.broadcast %broadcast_in_dim3A : f32 to vector<16xf32>
    %scan3A_21 = arith.constant 0 : i32
    %scan3A_22 = arith.constant 10 : i32
    %scan3A_23 = arith.addi %scan3A_21, %scan3A_22 : i32
    %scan3A_24 = arith.constant 1 : i32
    %scan3A_25 = scf.for %scan3A_28 = %scan3A_21 to %scan3A_23 step %scan3A_24 iter_args(%scan3A_29 = %broadcast_in_dim3A_20) -> (vector<16xf32>)  : i32 {
      %mul3A_30 = arith.constant 2 : i32
      %mul3A_31 = arith.muli %scan3A_28, %mul3A_30 : i32
      %add3A_32 = arith.constant 0 : i32
      %add3A_33 = arith.addi %mul3A_31, %add3A_32 : i32
      %add3A_34 = arith.constant 1 : i32
      %add3A_35 = arith.addi %add3A_33, %add3A_34 : i32
      %lt3A = arith.constant 20 : i32
      %lt3A_36 = arith.cmpi slt, %add3A_35, %lt3A : i32
      %convert_element_type3A = arith.extui %lt3A_36 : i1 to i32
      %cond3A = arith.constant 0 : i32
      %cond3A_37 = arith.cmpi ne, %convert_element_type3A, %cond3A : i32
      scf.if %cond3A_37 {
        %add3A_84 = arith.constant 1 : i32
        %add3A_85 = arith.addi %add3A_33, %add3A_84 : i32
        %dma_start3A_86 = arith.constant 1 : i32
        %dma_start3A_87 = arith.constant 0 : i32
        %dma_start3A_88 = arith.constant 0 : i32
        %dma_start3A_89 = tpu.memref_slice %arg12[%dma_start3A_86, %dma_start3A_87, %dma_start3A_88] : memref<2x80x128xf32, #tpu.memory_space<vmem>> -> memref<1x80x128xf32, #tpu.memory_space<vmem>>
        %dma_start3A_90 = tpu.memref_squeeze %dma_start3A_89 : memref<1x80x128xf32, #tpu.memory_space<vmem>> -> memref<80x128xf32, #tpu.memory_space<vmem>>
        %dma_start3A_91 = arith.constant 0 : i32
        %dma_start3A_92 = tpu.memref_slice %arg11[%add3A_85, %dma_start3A_91] : memref<20x80xi32, #tpu.memory_space<vmem>> -> memref<1x80xi32, #tpu.memory_space<vmem>>
        %dma_start3A_93 = tpu.memref_squeeze %dma_start3A_92 : memref<1x80xi32, #tpu.memory_space<vmem>> -> memref<80xi32, #tpu.memory_space<vmem>>
        %dma_start3A_94 = arith.constant 0 : i32
        %dma_start3A_95 = arith.constant 0 : i32
        %dma_start3A_96 = tpu.memref_slice %arg2[%dma_start3A_94, %dma_start3A_95] : memref<8000x128xf32, #tpu.memory_space<hbm>> -> memref<8000x128xf32, #tpu.memory_space<hbm>>
        tpu.enqueue_indirect_dma source(%dma_start3A_96 : memref<8000x128xf32, #tpu.memory_space<hbm>>) target(%dma_start3A_90 : memref<80x128xf32, #tpu.memory_space<vmem>>) offsets(%dma_start3A_93 : memref<80xi32, #tpu.memory_space<vmem>>) semaphore(%arg15 : memref<!tpu.dma_semaphore, #tpu.memory_space<semaphore_mem>>)
      } else {
      }
      %dma_wait3A = arith.constant 0 : i32
      %dma_wait3A_38 = arith.constant 0 : i32
      %dma_wait3A_39 = arith.constant 0 : i32
      %dma_wait3A_40 = arith.constant 0 : i32
      %dma_wait3A_41 = tpu.memref_slice %arg12[%dma_wait3A_38, %dma_wait3A_39, %dma_wait3A_40] : memref<2x80x128xf32, #tpu.memory_space<vmem>> -> memref<1x80x128xf32, #tpu.memory_space<vmem>>
      %dma_wait3A_42 = tpu.memref_squeeze %dma_wait3A_41 : memref<1x80x128xf32, #tpu.memory_space<vmem>> -> memref<80x128xf32, #tpu.memory_space<vmem>>
      %dma_wait3A_43 = arith.constant 0 : i32
      %dma_wait3A_44 = tpu.memref_slice %arg11[%dma_wait3A, %dma_wait3A_43] : memref<20x80xi32, #tpu.memory_space<vmem>> -> memref<1x80xi32, #tpu.memory_space<vmem>>
      %dma_wait3A_45 = tpu.memref_squeeze %dma_wait3A_44 : memref<1x80xi32, #tpu.memory_space<vmem>> -> memref<80xi32, #tpu.memory_space<vmem>>
      %dma_wait3A_46 = arith.constant 0 : i32
      %dma_wait3A_47 = arith.constant 0 : i32
      %dma_wait3A_48 = tpu.memref_slice %arg2[%dma_wait3A_46, %dma_wait3A_47] : memref<8000x128xf32, #tpu.memory_space<hbm>> -> memref<8000x128xf32, #tpu.memory_space<hbm>>
      tpu.wait_indirect_dma semaphore(%arg14 : memref<!tpu.dma_semaphore, #tpu.memory_space<semaphore_mem>>) src(%dma_wait3A_48 : memref<8000x128xf32, #tpu.memory_space<hbm>>) dst(%dma_wait3A_42 : memref<80x128xf32, #tpu.memory_space<vmem>>)
      %scan3A_49 = arith.constant 0 : i32
      %scan3A_50 = arith.constant 5 : i32
      %scan3A_51 = arith.addi %scan3A_49, %scan3A_50 : i32
      %scan3A_52 = arith.constant 1 : i32
      %scan3A_53 = scf.for %scan3A_84 = %scan3A_49 to %scan3A_51 step %scan3A_52 iter_args(%scan3A_85 = %scan3A_29) -> (vector<16xf32>)  : i32 {
        %mul3A_86 = arith.constant 80 : i32
        %mul3A_87 = arith.muli %add3A_33, %mul3A_86 : i32
        %mul3A_88 = arith.constant 16 : i32
        %mul3A_89 = arith.muli %scan3A_84, %mul3A_88 : i32
        %add3A_90 = arith.addi %mul3A_87, %mul3A_89 : i32
        %get3A = arith.index_cast %add3A_90 : i32 to index
        %get3A_91 = tpu.vector_load %arg8[%get3A] {strides = array<i32>} : memref<1600xi32, #tpu.memory_space<vmem>>, vector<16xi32>,
        %gather3A = tpu.vector_load_idx %arg10[%get3A_91] : memref<1000xf32, #tpu.memory_space<vmem>>[vector<16xi32>], vector<16xf32>,
        %iota3A = tpu.iota {dimensions = array<i32: 0>} : vector<16xi32>
        %mul3A_92 = arith.constant 16 : i32
        %mul3A_93 = arith.muli %scan3A_84, %mul3A_92 : i32
        %add3A_94 = vector.broadcast %mul3A_93 : i32 to vector<16xi32>
        %add3A_95 = arith.addi %iota3A, %add3A_94 : vector<16xi32>
        %get3A_96 = arith.index_cast %add3A_90 : i32 to index
        %get3A_97 = tpu.vector_load %arg9[%get3A_96] {strides = array<i32>} : memref<1600xi32, #tpu.memory_space<vmem>>, vector<16xi32>,
        %and3A = arith.constant 127 : i32
        %and3A_98 = vector.broadcast %and3A : i32 to vector<16xi32>
        %and3A_99 = arith.andi %get3A_97, %and3A_98 : vector<16xi32>
        %gather3A_100 = arith.constant 0 : i32
        %gather3A_101 = arith.constant 0 : i32
        %gather3A_102 = arith.constant 0 : i32
        %gather3A_103 = tpu.memref_slice %arg12[%gather3A_100, %gather3A_101, %gather3A_102] : memref<2x80x128xf32, #tpu.memory_space<vmem>> -> memref<1x80x128xf32, #tpu.memory_space<vmem>>
        %gather3A_104 = tpu.memref_squeeze %gather3A_103 : memref<1x80x128xf32, #tpu.memory_space<vmem>> -> memref<80x128xf32, #tpu.memory_space<vmem>>
        %gather3A_105 = tpu.vector_load_idx %gather3A_104[%add3A_95, %and3A_99] : memref<80x128xf32, #tpu.memory_space<vmem>>[vector<16xi32>, vector<16xi32>], vector<16xf32>,
        %sub3A = arith.subf %gather3A, %gather3A_105 : vector<16xf32>
        %add3A_106 = arith.addf %scan3A_85, %sub3A : vector<16xf32>
        scf.yield %add3A_106 : vector<16xf32>
      }
      %scan3A_54 = arith.constant 5 : i32
      %mul3A_55 = arith.constant 2 : i32
      %mul3A_56 = arith.muli %scan3A_28, %mul3A_55 : i32
      %add3A_57 = arith.constant 1 : i32
      %add3A_58 = arith.addi %mul3A_56, %add3A_57 : i32
      %add3A_59 = arith.constant 1 : i32
      %add3A_60 = arith.addi %add3A_58, %add3A_59 : i32
      %lt3A_61 = arith.constant 20 : i32
      %lt3A_62 = arith.cmpi slt, %add3A_60, %lt3A_61 : i32
      %convert_element_type3A_63 = arith.extui %lt3A_62 : i1 to i32
      %cond3A_64 = arith.constant 0 : i32
      %cond3A_65 = arith.cmpi ne, %convert_element_type3A_63, %cond3A_64 : i32
      scf.if %cond3A_65 {
        %add3A_84 = arith.constant 1 : i32
        %add3A_85 = arith.addi %add3A_58, %add3A_84 : i32
        %dma_start3A_86 = arith.constant 0 : i32
        %dma_start3A_87 = arith.constant 0 : i32
        %dma_start3A_88 = arith.constant 0 : i32
        %dma_start3A_89 = tpu.memref_slice %arg12[%dma_start3A_86, %dma_start3A_87, %dma_start3A_88] : memref<2x80x128xf32, #tpu.memory_space<vmem>> -> memref<1x80x128xf32, #tpu.memory_space<vmem>>
        %dma_start3A_90 = tpu.memref_squeeze %dma_start3A_89 : memref<1x80x128xf32, #tpu.memory_space<vmem>> -> memref<80x128xf32, #tpu.memory_space<vmem>>
        %dma_start3A_91 = arith.constant 0 : i32
        %dma_start3A_92 = tpu.memref_slice %arg11[%add3A_85, %dma_start3A_91] : memref<20x80xi32, #tpu.memory_space<vmem>> -> memref<1x80xi32, #tpu.memory_space<vmem>>
        %dma_start3A_93 = tpu.memref_squeeze %dma_start3A_92 : memref<1x80xi32, #tpu.memory_space<vmem>> -> memref<80xi32, #tpu.memory_space<vmem>>
        %dma_start3A_94 = arith.constant 0 : i32
        %dma_start3A_95 = arith.constant 0 : i32
        %dma_start3A_96 = tpu.memref_slice %arg2[%dma_start3A_94, %dma_start3A_95] : memref<8000x128xf32, #tpu.memory_space<hbm>> -> memref<8000x128xf32, #tpu.memory_space<hbm>>
        tpu.enqueue_indirect_dma source(%dma_start3A_96 : memref<8000x128xf32, #tpu.memory_space<hbm>>) target(%dma_start3A_90 : memref<80x128xf32, #tpu.memory_space<vmem>>) offsets(%dma_start3A_93 : memref<80xi32, #tpu.memory_space<vmem>>) semaphore(%arg14 : memref<!tpu.dma_semaphore, #tpu.memory_space<semaphore_mem>>)
      } else {
      }
      %dma_wait3A_66 = arith.constant 0 : i32
      %dma_wait3A_67 = arith.constant 1 : i32
      %dma_wait3A_68 = arith.constant 0 : i32
      %dma_wait3A_69 = arith.constant 0 : i32
      %dma_wait3A_70 = tpu.memref_slice %arg12[%dma_wait3A_67, %dma_wait3A_68, %dma_wait3A_69] : memref<2x80x128xf32, #tpu.memory_space<vmem>> -> memref<1x80x128xf32, #tpu.memory_space<vmem>>
      %dma_wait3A_71 = tpu.memref_squeeze %dma_wait3A_70 : memref<1x80x128xf32, #tpu.memory_space<vmem>> -> memref<80x128xf32, #tpu.memory_space<vmem>>
      %dma_wait3A_72 = arith.constant 0 : i32
      %dma_wait3A_73 = tpu.memref_slice %arg11[%dma_wait3A_66, %dma_wait3A_72] : memref<20x80xi32, #tpu.memory_space<vmem>> -> memref<1x80xi32, #tpu.memory_space<vmem>>
      %dma_wait3A_74 = tpu.memref_squeeze %dma_wait3A_73 : memref<1x80xi32, #tpu.memory_space<vmem>> -> memref<80xi32, #tpu.memory_space<vmem>>
      %dma_wait3A_75 = arith.constant 0 : i32
      %dma_wait3A_76 = arith.constant 0 : i32
      %dma_wait3A_77 = tpu.memref_slice %arg2[%dma_wait3A_75, %dma_wait3A_76] : memref<8000x128xf32, #tpu.memory_space<hbm>> -> memref<8000x128xf32, #tpu.memory_space<hbm>>
      tpu.wait_indirect_dma semaphore(%arg15 : memref<!tpu.dma_semaphore, #tpu.memory_space<semaphore_mem>>) src(%dma_wait3A_77 : memref<8000x128xf32, #tpu.memory_space<hbm>>) dst(%dma_wait3A_71 : memref<80x128xf32, #tpu.memory_space<vmem>>)
      %scan3A_78 = arith.constant 0 : i32
      %scan3A_79 = arith.constant 5 : i32
      %scan3A_80 = arith.addi %scan3A_78, %scan3A_79 : i32
      %scan3A_81 = arith.constant 1 : i32
      %scan3A_82 = scf.for %scan3A_84 = %scan3A_78 to %scan3A_80 step %scan3A_81 iter_args(%scan3A_85 = %scan3A_53) -> (vector<16xf32>)  : i32 {
        %mul3A_86 = arith.constant 80 : i32
        %mul3A_87 = arith.muli %add3A_58, %mul3A_86 : i32
        %mul3A_88 = arith.constant 16 : i32
        %mul3A_89 = arith.muli %scan3A_84, %mul3A_88 : i32
        %add3A_90 = arith.addi %mul3A_87, %mul3A_89 : i32
        %get3A = arith.index_cast %add3A_90 : i32 to index
        %get3A_91 = tpu.vector_load %arg8[%get3A] {strides = array<i32>} : memref<1600xi32, #tpu.memory_space<vmem>>, vector<16xi32>,
        %gather3A = tpu.vector_load_idx %arg10[%get3A_91] : memref<1000xf32, #tpu.memory_space<vmem>>[vector<16xi32>], vector<16xf32>,
        %iota3A = tpu.iota {dimensions = array<i32: 0>} : vector<16xi32>
        %mul3A_92 = arith.constant 16 : i32
        %mul3A_93 = arith.muli %scan3A_84, %mul3A_92 : i32
        %add3A_94 = vector.broadcast %mul3A_93 : i32 to vector<16xi32>
        %add3A_95 = arith.addi %iota3A, %add3A_94 : vector<16xi32>
        %get3A_96 = arith.index_cast %add3A_90 : i32 to index
        %get3A_97 = tpu.vector_load %arg9[%get3A_96] {strides = array<i32>} : memref<1600xi32, #tpu.memory_space<vmem>>, vector<16xi32>,
        %and3A = arith.constant 127 : i32
        %and3A_98 = vector.broadcast %and3A : i32 to vector<16xi32>
        %and3A_99 = arith.andi %get3A_97, %and3A_98 : vector<16xi32>
        %gather3A_100 = arith.constant 1 : i32
        %gather3A_101 = arith.constant 0 : i32
        %gather3A_102 = arith.constant 0 : i32
        %gather3A_103 = tpu.memref_slice %arg12[%gather3A_100, %gather3A_101, %gather3A_102] : memref<2x80x128xf32, #tpu.memory_space<vmem>> -> memref<1x80x128xf32, #tpu.memory_space<vmem>>
        %gather3A_104 = tpu.memref_squeeze %gather3A_103 : memref<1x80x128xf32, #tpu.memory_space<vmem>> -> memref<80x128xf32, #tpu.memory_space<vmem>>
        %gather3A_105 = tpu.vector_load_idx %gather3A_104[%add3A_95, %and3A_99] : memref<80x128xf32, #tpu.memory_space<vmem>>[vector<16xi32>, vector<16xi32>], vector<16xf32>,
        %sub3A = arith.subf %gather3A, %gather3A_105 : vector<16xf32>
        %add3A_106 = arith.addf %scan3A_85, %sub3A : vector<16xf32>
        scf.yield %add3A_106 : vector<16xf32>
      }
      %scan3A_83 = arith.constant 5 : i32
      scf.yield %scan3A_82 : vector<16xf32>
    }
    %scan3A_26 = arith.constant 10 : i32
    %swap3A = arith.constant 0 : index
    %swap3A_27 = tpu.vector_load %arg13[%swap3A] {strides = array<i32>} : memref<16xf32, #tpu.memory_space<vmem>>, vector<16xf32>,
    tpu.vector_store %arg13[%swap3A], %scan3A_25 {strides = array<i32>} : memref<16xf32, #tpu.memory_space<vmem>>, vector<16xf32>,
    "tpu.region"() ({
      %run_scoped3A = tpu.sem_alloc : memref<!tpu.dma_semaphore, #tpu.memory_space<semaphore_mem>>
      %dma_start3A_28 = arith.constant 0 : i32
      %dma_start3A_29 = tpu.memref_slice %arg7[%add3A, %dma_start3A_28] : memref<32x16xf32, #tpu.memory_space<hbm>> -> memref<1x16xf32, #tpu.memory_space<hbm>>
      %dma_start3A_30 = tpu.memref_squeeze %dma_start3A_29 : memref<1x16xf32, #tpu.memory_space<hbm>> -> memref<16xf32, #tpu.memory_space<hbm>>
      %dma_start3A_31 = arith.constant 0 : i32
      %dma_start3A_32 = tpu.memref_slice %arg7[%add3A, %dma_start3A_31] : memref<32x16xf32, #tpu.memory_space<hbm>> -> memref<1x16xf32, #tpu.memory_space<hbm>>
      %dma_start3A_33 = tpu.memref_squeeze %dma_start3A_32 : memref<1x16xf32, #tpu.memory_space<hbm>> -> memref<16xf32, #tpu.memory_space<hbm>>
      tpu.enqueue_dma source(%arg13 : memref<16xf32, #tpu.memory_space<vmem>>) target(%dma_start3A_33 : memref<16xf32, #tpu.memory_space<hbm>>) target_semaphore(%run_scoped3A : memref<!tpu.dma_semaphore, #tpu.memory_space<semaphore_mem>>)
      %dma_wait3A = arith.constant 0 : i32
      %dma_wait3A_34 = tpu.memref_slice %arg7[%add3A, %dma_wait3A] : memref<32x16xf32, #tpu.memory_space<hbm>> -> memref<1x16xf32, #tpu.memory_space<hbm>>
      %dma_wait3A_35 = tpu.memref_squeeze %dma_wait3A_34 : memref<1x16xf32, #tpu.memory_space<hbm>> -> memref<16xf32, #tpu.memory_space<hbm>>
      %dma_wait3A_36 = arith.constant 0 : i32
      %dma_wait3A_37 = tpu.memref_slice %arg7[%add3A, %dma_wait3A_36] : memref<32x16xf32, #tpu.memory_space<hbm>> -> memref<1x16xf32, #tpu.memory_space<hbm>>
      %dma_wait3A_38 = tpu.memref_squeeze %dma_wait3A_37 : memref<1x16xf32, #tpu.memory_space<hbm>> -> memref<16xf32, #tpu.memory_space<hbm>>
      tpu.wait_dma2 semaphore(%run_scoped3A : memref<!tpu.dma_semaphore, #tpu.memory_space<semaphore_mem>>) src(%arg13 : memref<16xf32, #tpu.memory_space<vmem>>) dst(%dma_wait3A_38 : memref<16xf32, #tpu.memory_space<hbm>>)
      tpu.yield
    }) : () -> ()
    return
  }
}

#map = affine_map<(d0, d1) -> (0, 0)>
#map1 = affine_map<(d0, d1) -> (0)>
module attributes {stable_mosaic.version = 14 : i64} {
  func.func @sc_kernel(%arg0: i32, %arg1: i32, %arg2: memref<1000x1024xf32, #tpu.memory_space<hbm>>, %arg3: memref<15360xi32, #tpu.memory_space<hbm>>, %arg4: memref<15360x1024xf32, #tpu.memory_space<hbm>>, %arg5: memref<480xi32, #tpu.memory_space<vmem>>, %arg6: memref<2x40x1024xf32, #tpu.memory_space<vmem>>, %arg7: memref<!tpu.dma_semaphore, #tpu.memory_space<semaphore_mem>>, %arg8: memref<!tpu.dma_semaphore, #tpu.memory_space<semaphore_mem>>, %arg9: memref<!tpu.dma_semaphore, #tpu.memory_space<semaphore_mem>>, %arg10: memref<!tpu.dma_semaphore, #tpu.memory_space<semaphore_mem>>) attributes {dimension_semantics = [#tpu.dimension_semantics<core_parallel>, #tpu.dimension_semantics<subcore_parallel>], iteration_bounds = array<i64: 2, 16>, scalar_prefetch = 0 : i64, scratch_operands = 6 : i64, tpu.core_type = #tpu.core_type<sc_vector_subcore>, window_params = [{transform_indices = #map}, {transform_indices = #map1}, {transform_indices = #map}]} {
    %mul3A = arith.constant 2 : i32
    %mul3A_0 = arith.muli %arg1, %mul3A : i32
    %add3A = arith.addi %mul3A_0, %arg0 : i32
    %mul3A_1 = arith.constant 480 : i32
    %mul3A_2 = arith.muli %add3A, %mul3A_1 : i32
    "tpu.region"() ({
      %run_scoped3A = tpu.sem_alloc : memref<!tpu.dma_semaphore, #tpu.memory_space<semaphore_mem>>
      %dma_start3A_27 = tpu.memref_slice %arg3[%mul3A_2] : memref<15360xi32, #tpu.memory_space<hbm>> -> memref<480xi32, #tpu.memory_space<hbm>>
      %dma_start3A_28 = tpu.memref_slice %arg3[%mul3A_2] : memref<15360xi32, #tpu.memory_space<hbm>> -> memref<480xi32, #tpu.memory_space<hbm>>
      tpu.enqueue_dma source(%dma_start3A_28 : memref<480xi32, #tpu.memory_space<hbm>>) target(%arg5 : memref<480xi32, #tpu.memory_space<vmem>>) target_semaphore(%run_scoped3A : memref<!tpu.dma_semaphore, #tpu.memory_space<semaphore_mem>>)
      %dma_wait3A = tpu.memref_slice %arg3[%mul3A_2] : memref<15360xi32, #tpu.memory_space<hbm>> -> memref<480xi32, #tpu.memory_space<hbm>>
      %dma_wait3A_29 = tpu.memref_slice %arg3[%mul3A_2] : memref<15360xi32, #tpu.memory_space<hbm>> -> memref<480xi32, #tpu.memory_space<hbm>>
      tpu.wait_dma2 semaphore(%run_scoped3A : memref<!tpu.dma_semaphore, #tpu.memory_space<semaphore_mem>>) src(%dma_wait3A_29 : memref<480xi32, #tpu.memory_space<hbm>>) dst(%arg5 : memref<480xi32, #tpu.memory_space<vmem>>)
      tpu.yield
    }) : () -> ()
    %dma_start3A = arith.constant 0 : i32
    %dma_start3A_3 = arith.constant 0 : i32
    %dma_start3A_4 = arith.constant 0 : i32
    %dma_start3A_5 = tpu.memref_slice %arg6[%dma_start3A, %dma_start3A_3, %dma_start3A_4] : memref<2x40x1024xf32, #tpu.memory_space<vmem>> -> memref<1x40x1024xf32, #tpu.memory_space<vmem>>
    %dma_start3A_6 = tpu.memref_squeeze %dma_start3A_5 : memref<1x40x1024xf32, #tpu.memory_space<vmem>> -> memref<40x1024xf32, #tpu.memory_space<vmem>>
    %dma_start3A_7 = arith.constant 0 : i32
    %dma_start3A_8 = tpu.memref_slice %arg5[%dma_start3A_7] : memref<480xi32, #tpu.memory_space<vmem>> -> memref<40xi32, #tpu.memory_space<vmem>>
    %dma_start3A_9 = arith.constant 0 : i32
    %dma_start3A_10 = arith.constant 0 : i32
    %dma_start3A_11 = tpu.memref_slice %arg2[%dma_start3A_9, %dma_start3A_10] : memref<1000x1024xf32, #tpu.memory_space<hbm>> -> memref<1000x1024xf32, #tpu.memory_space<hbm>>
    tpu.enqueue_indirect_dma source(%dma_start3A_11 : memref<1000x1024xf32, #tpu.memory_space<hbm>>) target(%dma_start3A_6 : memref<40x1024xf32, #tpu.memory_space<vmem>>) offsets(%dma_start3A_8 : memref<40xi32, #tpu.memory_space<vmem>>) semaphore(%arg7 : memref<!tpu.dma_semaphore, #tpu.memory_space<semaphore_mem>>)
    %dma_start3A_12 = arith.constant 1 : i32
    %dma_start3A_13 = arith.constant 0 : i32
    %dma_start3A_14 = arith.constant 0 : i32
    %dma_start3A_15 = tpu.memref_slice %arg6[%dma_start3A_12, %dma_start3A_13, %dma_start3A_14] : memref<2x40x1024xf32, #tpu.memory_space<vmem>> -> memref<1x40x1024xf32, #tpu.memory_space<vmem>>
    %dma_start3A_16 = tpu.memref_squeeze %dma_start3A_15 : memref<1x40x1024xf32, #tpu.memory_space<vmem>> -> memref<40x1024xf32, #tpu.memory_space<vmem>>
    %dma_start3A_17 = arith.constant 40 : i32
    %dma_start3A_18 = tpu.memref_slice %arg5[%dma_start3A_17] : memref<480xi32, #tpu.memory_space<vmem>> -> memref<40xi32, #tpu.memory_space<vmem>>
    %dma_start3A_19 = arith.constant 0 : i32
    %dma_start3A_20 = arith.constant 0 : i32
    %dma_start3A_21 = tpu.memref_slice %arg2[%dma_start3A_19, %dma_start3A_20] : memref<1000x1024xf32, #tpu.memory_space<hbm>> -> memref<1000x1024xf32, #tpu.memory_space<hbm>>
    tpu.enqueue_indirect_dma source(%dma_start3A_21 : memref<1000x1024xf32, #tpu.memory_space<hbm>>) target(%dma_start3A_16 : memref<40x1024xf32, #tpu.memory_space<vmem>>) offsets(%dma_start3A_18 : memref<40xi32, #tpu.memory_space<vmem>>) semaphore(%arg8 : memref<!tpu.dma_semaphore, #tpu.memory_space<semaphore_mem>>)
    %scan3A = arith.constant 0 : i32
    %scan3A_22 = arith.constant 0 : i32
    %scan3A_23 = arith.constant 6 : i32
    %scan3A_24 = arith.addi %scan3A_22, %scan3A_23 : i32
    %scan3A_25 = arith.constant 1 : i32
    scf.for %scan3A_27 = %scan3A_22 to %scan3A_24 step %scan3A_25  : i32 {
      %mul3A_28 = arith.constant 2 : i32
      %mul3A_29 = arith.muli %scan3A_27, %mul3A_28 : i32
      %dma_wait3A = arith.constant 0 : i32
      %dma_wait3A_30 = arith.constant 0 : i32
      %dma_wait3A_31 = arith.constant 0 : i32
      %dma_wait3A_32 = tpu.memref_slice %arg6[%dma_wait3A, %dma_wait3A_30, %dma_wait3A_31] : memref<2x40x1024xf32, #tpu.memory_space<vmem>> -> memref<1x40x1024xf32, #tpu.memory_space<vmem>>
      %dma_wait3A_33 = tpu.memref_squeeze %dma_wait3A_32 : memref<1x40x1024xf32, #tpu.memory_space<vmem>> -> memref<40x1024xf32, #tpu.memory_space<vmem>>
      %dma_wait3A_34 = arith.constant 0 : i32
      %dma_wait3A_35 = tpu.memref_slice %arg5[%dma_wait3A_34] : memref<480xi32, #tpu.memory_space<vmem>> -> memref<40xi32, #tpu.memory_space<vmem>>
      %dma_wait3A_36 = arith.constant 0 : i32
      %dma_wait3A_37 = arith.constant 0 : i32
      %dma_wait3A_38 = tpu.memref_slice %arg2[%dma_wait3A_36, %dma_wait3A_37] : memref<1000x1024xf32, #tpu.memory_space<hbm>> -> memref<1000x1024xf32, #tpu.memory_space<hbm>>
      tpu.wait_indirect_dma semaphore(%arg7 : memref<!tpu.dma_semaphore, #tpu.memory_space<semaphore_mem>>) src(%dma_wait3A_38 : memref<1000x1024xf32, #tpu.memory_space<hbm>>) dst(%dma_wait3A_33 : memref<40x1024xf32, #tpu.memory_space<vmem>>)
      %add3A_39 = arith.constant 0 : i32
      %add3A_40 = arith.addi %mul3A_29, %add3A_39 : i32
      %mul3A_41 = arith.constant 40 : i32
      %mul3A_42 = arith.muli %add3A_40, %mul3A_41 : i32
      %add3A_43 = arith.addi %mul3A_2, %mul3A_42 : i32
      %dma_start3A_44 = arith.constant 0 : i32
      %dma_start3A_45 = arith.constant 0 : i32
      %dma_start3A_46 = arith.constant 0 : i32
      %dma_start3A_47 = tpu.memref_slice %arg6[%dma_start3A_44, %dma_start3A_45, %dma_start3A_46] : memref<2x40x1024xf32, #tpu.memory_space<vmem>> -> memref<1x40x1024xf32, #tpu.memory_space<vmem>>
      %dma_start3A_48 = tpu.memref_squeeze %dma_start3A_47 : memref<1x40x1024xf32, #tpu.memory_space<vmem>> -> memref<40x1024xf32, #tpu.memory_space<vmem>>
      %dma_start3A_49 = arith.constant 0 : i32
      %dma_start3A_50 = tpu.memref_slice %arg4[%add3A_43, %dma_start3A_49] : memref<15360x1024xf32, #tpu.memory_space<hbm>> -> memref<40x1024xf32, #tpu.memory_space<hbm>>
      %dma_start3A_51 = arith.constant 0 : i32
      %dma_start3A_52 = tpu.memref_slice %arg4[%add3A_43, %dma_start3A_51] : memref<15360x1024xf32, #tpu.memory_space<hbm>> -> memref<40x1024xf32, #tpu.memory_space<hbm>>
      %dma_start3A_53 = arith.constant 0 : i32
      %dma_start3A_54 = arith.constant 0 : i32
      %dma_start3A_55 = tpu.memref_slice %arg6[%dma_start3A_44, %dma_start3A_53, %dma_start3A_54] : memref<2x40x1024xf32, #tpu.memory_space<vmem>> -> memref<1x40x1024xf32, #tpu.memory_space<vmem>>
      %dma_start3A_56 = tpu.memref_squeeze %dma_start3A_55 : memref<1x40x1024xf32, #tpu.memory_space<vmem>> -> memref<40x1024xf32, #tpu.memory_space<vmem>>
      tpu.enqueue_dma source(%dma_start3A_56 : memref<40x1024xf32, #tpu.memory_space<vmem>>) target(%dma_start3A_52 : memref<40x1024xf32, #tpu.memory_space<hbm>>) target_semaphore(%arg9 : memref<!tpu.dma_semaphore, #tpu.memory_space<semaphore_mem>>)
      %dma_wait3A_57 = arith.constant 1 : i32
      %dma_wait3A_58 = arith.constant 0 : i32
      %dma_wait3A_59 = arith.constant 0 : i32
      %dma_wait3A_60 = tpu.memref_slice %arg6[%dma_wait3A_57, %dma_wait3A_58, %dma_wait3A_59] : memref<2x40x1024xf32, #tpu.memory_space<vmem>> -> memref<1x40x1024xf32, #tpu.memory_space<vmem>>
      %dma_wait3A_61 = tpu.memref_squeeze %dma_wait3A_60 : memref<1x40x1024xf32, #tpu.memory_space<vmem>> -> memref<40x1024xf32, #tpu.memory_space<vmem>>
      %dma_wait3A_62 = arith.constant 0 : i32
      %dma_wait3A_63 = tpu.memref_slice %arg5[%dma_wait3A_62] : memref<480xi32, #tpu.memory_space<vmem>> -> memref<40xi32, #tpu.memory_space<vmem>>
      %dma_wait3A_64 = arith.constant 0 : i32
      %dma_wait3A_65 = arith.constant 0 : i32
      %dma_wait3A_66 = tpu.memref_slice %arg2[%dma_wait3A_64, %dma_wait3A_65] : memref<1000x1024xf32, #tpu.memory_space<hbm>> -> memref<1000x1024xf32, #tpu.memory_space<hbm>>
      tpu.wait_indirect_dma semaphore(%arg8 : memref<!tpu.dma_semaphore, #tpu.memory_space<semaphore_mem>>) src(%dma_wait3A_66 : memref<1000x1024xf32, #tpu.memory_space<hbm>>) dst(%dma_wait3A_61 : memref<40x1024xf32, #tpu.memory_space<vmem>>)
      %add3A_67 = arith.constant 1 : i32
      %add3A_68 = arith.addi %mul3A_29, %add3A_67 : i32
      %mul3A_69 = arith.constant 40 : i32
      %mul3A_70 = arith.muli %add3A_68, %mul3A_69 : i32
      %add3A_71 = arith.addi %mul3A_2, %mul3A_70 : i32
      %dma_start3A_72 = arith.constant 1 : i32
      %dma_start3A_73 = arith.constant 0 : i32
      %dma_start3A_74 = arith.constant 0 : i32
      %dma_start3A_75 = tpu.memref_slice %arg6[%dma_start3A_72, %dma_start3A_73, %dma_start3A_74] : memref<2x40x1024xf32, #tpu.memory_space<vmem>> -> memref<1x40x1024xf32, #tpu.memory_space<vmem>>
      %dma_start3A_76 = tpu.memref_squeeze %dma_start3A_75 : memref<1x40x1024xf32, #tpu.memory_space<vmem>> -> memref<40x1024xf32, #tpu.memory_space<vmem>>
      %dma_start3A_77 = arith.constant 0 : i32
      %dma_start3A_78 = tpu.memref_slice %arg4[%add3A_71, %dma_start3A_77] : memref<15360x1024xf32, #tpu.memory_space<hbm>> -> memref<40x1024xf32, #tpu.memory_space<hbm>>
      %dma_start3A_79 = arith.constant 0 : i32
      %dma_start3A_80 = tpu.memref_slice %arg4[%add3A_71, %dma_start3A_79] : memref<15360x1024xf32, #tpu.memory_space<hbm>> -> memref<40x1024xf32, #tpu.memory_space<hbm>>
      %dma_start3A_81 = arith.constant 0 : i32
      %dma_start3A_82 = arith.constant 0 : i32
      %dma_start3A_83 = tpu.memref_slice %arg6[%dma_start3A_72, %dma_start3A_81, %dma_start3A_82] : memref<2x40x1024xf32, #tpu.memory_space<vmem>> -> memref<1x40x1024xf32, #tpu.memory_space<vmem>>
      %dma_start3A_84 = tpu.memref_squeeze %dma_start3A_83 : memref<1x40x1024xf32, #tpu.memory_space<vmem>> -> memref<40x1024xf32, #tpu.memory_space<vmem>>
      tpu.enqueue_dma source(%dma_start3A_84 : memref<40x1024xf32, #tpu.memory_space<vmem>>) target(%dma_start3A_80 : memref<40x1024xf32, #tpu.memory_space<hbm>>) target_semaphore(%arg10 : memref<!tpu.dma_semaphore, #tpu.memory_space<semaphore_mem>>)
      %dma_wait3A_85 = arith.constant 0 : i32
      %dma_wait3A_86 = arith.constant 0 : i32
      %dma_wait3A_87 = arith.constant 0 : i32
      %dma_wait3A_88 = tpu.memref_slice %arg6[%dma_wait3A_85, %dma_wait3A_86, %dma_wait3A_87] : memref<2x40x1024xf32, #tpu.memory_space<vmem>> -> memref<1x40x1024xf32, #tpu.memory_space<vmem>>
      %dma_wait3A_89 = tpu.memref_squeeze %dma_wait3A_88 : memref<1x40x1024xf32, #tpu.memory_space<vmem>> -> memref<40x1024xf32, #tpu.memory_space<vmem>>
      %dma_wait3A_90 = arith.constant 0 : i32
      %dma_wait3A_91 = tpu.memref_slice %arg4[%mul3A_2, %dma_wait3A_90] : memref<15360x1024xf32, #tpu.memory_space<hbm>> -> memref<40x1024xf32, #tpu.memory_space<hbm>>
      %dma_wait3A_92 = arith.constant 0 : i32
      %dma_wait3A_93 = tpu.memref_slice %arg4[%mul3A_2, %dma_wait3A_92] : memref<15360x1024xf32, #tpu.memory_space<hbm>> -> memref<40x1024xf32, #tpu.memory_space<hbm>>
      %dma_wait3A_94 = arith.constant 0 : i32
      %dma_wait3A_95 = arith.constant 0 : i32
      %dma_wait3A_96 = tpu.memref_slice %arg6[%dma_wait3A_85, %dma_wait3A_94, %dma_wait3A_95] : memref<2x40x1024xf32, #tpu.memory_space<vmem>> -> memref<1x40x1024xf32, #tpu.memory_space<vmem>>
      %dma_wait3A_97 = tpu.memref_squeeze %dma_wait3A_96 : memref<1x40x1024xf32, #tpu.memory_space<vmem>> -> memref<40x1024xf32, #tpu.memory_space<vmem>>
      tpu.wait_dma2 semaphore(%arg9 : memref<!tpu.dma_semaphore, #tpu.memory_space<semaphore_mem>>) src(%dma_wait3A_97 : memref<40x1024xf32, #tpu.memory_space<vmem>>) dst(%dma_wait3A_93 : memref<40x1024xf32, #tpu.memory_space<hbm>>)
      %add3A_98 = arith.constant 0 : i32
      %add3A_99 = arith.addi %mul3A_29, %add3A_98 : i32
      %add3A_100 = arith.constant 2 : i32
      %add3A_101 = arith.addi %add3A_99, %add3A_100 : i32
      %lt3A = arith.constant 12 : i32
      %lt3A_102 = arith.cmpi slt, %add3A_101, %lt3A : i32
      %convert_element_type3A = arith.extui %lt3A_102 : i1 to i32
      %cond3A = arith.constant 0 : i32
      %cond3A_103 = arith.cmpi ne, %convert_element_type3A, %cond3A : i32
      scf.if %cond3A_103 {
        %mul3A_126 = arith.constant 40 : i32
        %mul3A_127 = arith.muli %add3A_101, %mul3A_126 : i32
        %dma_start3A_128 = arith.constant 0 : i32
        %dma_start3A_129 = arith.constant 0 : i32
        %dma_start3A_130 = arith.constant 0 : i32
        %dma_start3A_131 = tpu.memref_slice %arg6[%dma_start3A_128, %dma_start3A_129, %dma_start3A_130] : memref<2x40x1024xf32, #tpu.memory_space<vmem>> -> memref<1x40x1024xf32, #tpu.memory_space<vmem>>
        %dma_start3A_132 = tpu.memref_squeeze %dma_start3A_131 : memref<1x40x1024xf32, #tpu.memory_space<vmem>> -> memref<40x1024xf32, #tpu.memory_space<vmem>>
        %dma_start3A_133 = tpu.memref_slice %arg5[%mul3A_127] : memref<480xi32, #tpu.memory_space<vmem>> -> memref<40xi32, #tpu.memory_space<vmem>>
        %dma_start3A_134 = arith.constant 0 : i32
        %dma_start3A_135 = arith.constant 0 : i32
        %dma_start3A_136 = tpu.memref_slice %arg2[%dma_start3A_134, %dma_start3A_135] : memref<1000x1024xf32, #tpu.memory_space<hbm>> -> memref<1000x1024xf32, #tpu.memory_space<hbm>>
        tpu.enqueue_indirect_dma source(%dma_start3A_136 : memref<1000x1024xf32, #tpu.memory_space<hbm>>) target(%dma_start3A_132 : memref<40x1024xf32, #tpu.memory_space<vmem>>) offsets(%dma_start3A_133 : memref<40xi32, #tpu.memory_space<vmem>>) semaphore(%arg7 : memref<!tpu.dma_semaphore, #tpu.memory_space<semaphore_mem>>)
      } else {
      }
      %dma_wait3A_104 = arith.constant 1 : i32
      %dma_wait3A_105 = arith.constant 0 : i32
      %dma_wait3A_106 = arith.constant 0 : i32
      %dma_wait3A_107 = tpu.memref_slice %arg6[%dma_wait3A_104, %dma_wait3A_105, %dma_wait3A_106] : memref<2x40x1024xf32, #tpu.memory_space<vmem>> -> memref<1x40x1024xf32, #tpu.memory_space<vmem>>
      %dma_wait3A_108 = tpu.memref_squeeze %dma_wait3A_107 : memref<1x40x1024xf32, #tpu.memory_space<vmem>> -> memref<40x1024xf32, #tpu.memory_space<vmem>>
      %dma_wait3A_109 = arith.constant 0 : i32
      %dma_wait3A_110 = tpu.memref_slice %arg4[%mul3A_2, %dma_wait3A_109] : memref<15360x1024xf32, #tpu.memory_space<hbm>> -> memref<40x1024xf32, #tpu.memory_space<hbm>>
      %dma_wait3A_111 = arith.constant 0 : i32
      %dma_wait3A_112 = tpu.memref_slice %arg4[%mul3A_2, %dma_wait3A_111] : memref<15360x1024xf32, #tpu.memory_space<hbm>> -> memref<40x1024xf32, #tpu.memory_space<hbm>>
      %dma_wait3A_113 = arith.constant 0 : i32
      %dma_wait3A_114 = arith.constant 0 : i32
      %dma_wait3A_115 = tpu.memref_slice %arg6[%dma_wait3A_104, %dma_wait3A_113, %dma_wait3A_114] : memref<2x40x1024xf32, #tpu.memory_space<vmem>> -> memref<1x40x1024xf32, #tpu.memory_space<vmem>>
      %dma_wait3A_116 = tpu.memref_squeeze %dma_wait3A_115 : memref<1x40x1024xf32, #tpu.memory_space<vmem>> -> memref<40x1024xf32, #tpu.memory_space<vmem>>
      tpu.wait_dma2 semaphore(%arg10 : memref<!tpu.dma_semaphore, #tpu.memory_space<semaphore_mem>>) src(%dma_wait3A_116 : memref<40x1024xf32, #tpu.memory_space<vmem>>) dst(%dma_wait3A_112 : memref<40x1024xf32, #tpu.memory_space<hbm>>)
      %add3A_117 = arith.constant 1 : i32
      %add3A_118 = arith.addi %mul3A_29, %add3A_117 : i32
      %add3A_119 = arith.constant 2 : i32
      %add3A_120 = arith.addi %add3A_118, %add3A_119 : i32
      %lt3A_121 = arith.constant 12 : i32
      %lt3A_122 = arith.cmpi slt, %add3A_120, %lt3A_121 : i32
      %convert_element_type3A_123 = arith.extui %lt3A_122 : i1 to i32
      %cond3A_124 = arith.constant 0 : i32
      %cond3A_125 = arith.cmpi ne, %convert_element_type3A_123, %cond3A_124 : i32
      scf.if %cond3A_125 {
        %mul3A_126 = arith.constant 40 : i32
        %mul3A_127 = arith.muli %add3A_120, %mul3A_126 : i32
        %dma_start3A_128 = arith.constant 1 : i32
        %dma_start3A_129 = arith.constant 0 : i32
        %dma_start3A_130 = arith.constant 0 : i32
        %dma_start3A_131 = tpu.memref_slice %arg6[%dma_start3A_128, %dma_start3A_129, %dma_start3A_130] : memref<2x40x1024xf32, #tpu.memory_space<vmem>> -> memref<1x40x1024xf32, #tpu.memory_space<vmem>>
        %dma_start3A_132 = tpu.memref_squeeze %dma_start3A_131 : memref<1x40x1024xf32, #tpu.memory_space<vmem>> -> memref<40x1024xf32, #tpu.memory_space<vmem>>
        %dma_start3A_133 = tpu.memref_slice %arg5[%mul3A_127] : memref<480xi32, #tpu.memory_space<vmem>> -> memref<40xi32, #tpu.memory_space<vmem>>
        %dma_start3A_134 = arith.constant 0 : i32
        %dma_start3A_135 = arith.constant 0 : i32
        %dma_start3A_136 = tpu.memref_slice %arg2[%dma_start3A_134, %dma_start3A_135] : memref<1000x1024xf32, #tpu.memory_space<hbm>> -> memref<1000x1024xf32, #tpu.memory_space<hbm>>
        tpu.enqueue_indirect_dma source(%dma_start3A_136 : memref<1000x1024xf32, #tpu.memory_space<hbm>>) target(%dma_start3A_132 : memref<40x1024xf32, #tpu.memory_space<vmem>>) offsets(%dma_start3A_133 : memref<40xi32, #tpu.memory_space<vmem>>) semaphore(%arg8 : memref<!tpu.dma_semaphore, #tpu.memory_space<semaphore_mem>>)
      } else {
      }
    }
    %scan3A_26 = arith.constant 6 : i32
    return
  }
}

module attributes {stable_mosaic.version = 14 : i64} {
  func.func @_lse_pad_body(%arg0: memref<1000x1000xf32, #tpu.memory_space<vmem>>, %arg1: memref<1000xf32, #tpu.memory_space<vmem>>, %arg2: memref<1000x1024xf32, #tpu.memory_space<vmem>>, %arg3: memref<1000x1000xbf16, #tpu.memory_space<vmem>>) attributes {dimension_semantics = [], scalar_prefetch = 0 : i64, scratch_operands = 0 : i64, tpu.core_type = #tpu.core_type<tc>} {
    %get3A = arith.constant 0 : index
    %get3A_0 = arith.constant 0 : index
    %get3A_1 = vector.load %arg0[%get3A, %get3A_0] : memref<1000x1000xf32, #tpu.memory_space<vmem>>, vector<1000x1000xf32>
    %reduce_max3A = arith.constant dense<0xFF800000> : vector<1000xf32>
    %reduce_max3A_2 = vector.multi_reduction <maximumf>, %get3A_1, %reduce_max3A [1] : vector<1000x1000xf32> to vector<1000xf32>
    %broadcast_in_dim3A = vector.shape_cast %reduce_max3A_2 : vector<1000xf32> to vector<1000x1xf32>
    %sub3A = vector.broadcast %broadcast_in_dim3A : vector<1000x1xf32> to vector<1000x1000xf32>
    %sub3A_3 = arith.subf %get3A_1, %sub3A : vector<1000x1000xf32>
    %exp3A = math.exp %sub3A_3 : vector<1000x1000xf32>
    %reduce_sum3A = arith.constant dense<0.000000e+00> : vector<1000xf32>
    %reduce_sum3A_4 = vector.multi_reduction <add>, %exp3A, %reduce_sum3A [1] : vector<1000x1000xf32> to vector<1000xf32>
    %log3A = math.log %reduce_sum3A_4 : vector<1000xf32>
    %add3A = arith.addf %reduce_max3A_2, %log3A : vector<1000xf32>
    %swap3A = arith.constant 0 : index
    %swap3A_5 = vector.load %arg1[%swap3A] : memref<1000xf32, #tpu.memory_space<vmem>>, vector<1000xf32>
    tpu.vector_store %arg1[%swap3A], %add3A {strides = array<i32>} : memref<1000xf32, #tpu.memory_space<vmem>>, vector<1000xf32>,
    %broadcast_in_dim3A_6 = arith.constant 0.000000e+00 : f32
    %broadcast_in_dim3A_7 = vector.broadcast %broadcast_in_dim3A_6 : f32 to vector<1000x24xf32>
    %concatenate3A = tpu.concatenate %get3A_1, %broadcast_in_dim3A_7 in 1 : vector<1000x1000xf32>, vector<1000x24xf32> -> vector<1000x1024xf32>
    %swap3A_8 = arith.constant 0 : index
    %swap3A_9 = arith.constant 0 : index
    %swap3A_10 = vector.load %arg2[%swap3A_8, %swap3A_9] : memref<1000x1024xf32, #tpu.memory_space<vmem>>, vector<1000x1024xf32>
    tpu.vector_store %arg2[%swap3A_8, %swap3A_9], %concatenate3A {strides = array<i32>} : memref<1000x1024xf32, #tpu.memory_space<vmem>>, vector<1000x1024xf32>,
    %transpose3A = tpu.transpose %get3A_1, [1, 0] : vector<1000x1000xf32> -> vector<1000x1000xf32>
    %convert_element_type3A = arith.truncf %transpose3A : vector<1000x1000xf32> to vector<1000x1000xbf16>
    %swap3A_11 = arith.constant 0 : index
    %swap3A_12 = arith.constant 0 : index
    %swap3A_13 = vector.load %arg3[%swap3A_11, %swap3A_12] : memref<1000x1000xbf16, #tpu.memory_space<vmem>>, vector<1000x1000xbf16>
    tpu.vector_store %arg3[%swap3A_11, %swap3A_12], %convert_element_type3A {strides = array<i32>} : memref<1000x1000xbf16, #tpu.memory_space<vmem>>, vector<1000x1000xbf16>,
    return
  }
}

module attributes {stable_mosaic.version = 14 : i64} {
  func.func @_mm_body(%arg0: i32, %arg1: memref<1000x1000xbf16, #tpu.memory_space<vmem>>, %arg2: memref<512xi32, #tpu.memory_space<vmem>>, %arg3: memref<1000x512xf32, #tpu.memory_space<vmem>>) attributes {dimension_semantics = [#tpu.dimension_semantics<arbitrary>], iteration_bounds = array<i64: 40>, scalar_prefetch = 0 : i64, scratch_operands = 0 : i64, tpu.core_type = #tpu.core_type<tc>, window_params = [{pipeline_mode = #tpu.pipeline_mode<synchronous>, transform_indices = @transform_0, window_bounds = array<i64: 1000, 1000>}, {transform_indices = @transform_1, window_bounds = array<i64: 512>}, {transform_indices = @transform_2, window_bounds = array<i64: 1000, 512>}]} {
    %get3A = arith.constant 0 : index
    %get3A_0 = vector.load %arg2[%get3A] : memref<512xi32, #tpu.memory_space<vmem>>, vector<512xi32>
    %iota3A = tpu.iota {dimensions = array<i32: 0>} : vector<1000x512xi32>
    %broadcast_in_dim3A = vector.shape_cast %get3A_0 : vector<512xi32> to vector<1x512xi32>
    %eq3A = vector.broadcast %broadcast_in_dim3A : vector<1x512xi32> to vector<1000x512xi32>
    %eq3A_1 = arith.cmpi eq, %iota3A, %eq3A : vector<1000x512xi32>
    %convert_element_type3A = arith.extui %eq3A_1 : vector<1000x512xi1> to vector<1000x512xi32>
    %convert_element_type3A_2 = arith.sitofp %convert_element_type3A : vector<1000x512xi32> to vector<1000x512xf32>
    %convert_element_type3A_3 = arith.truncf %convert_element_type3A_2 : vector<1000x512xf32> to vector<1000x512xbf16>
    %get3A_4 = arith.constant 0 : index
    %get3A_5 = arith.constant 0 : index
    %get3A_6 = vector.load %arg1[%get3A_4, %get3A_5] : memref<1000x1000xbf16, #tpu.memory_space<vmem>>, vector<1000x1000xbf16>
    %dot_general3A = arith.constant dense<0.000000e+00> : vector<1000x512xf32>
    %dot_general3A_7 = tpu.matmul %get3A_6, %convert_element_type3A_3, %dot_general3A {dimension_numbers = #tpu.dot_dimension_numbers<[1], [0], [0], [1], [0, 0, 1, 1], [], []>, transpose_lhs_hint = false} : vector<1000x1000xbf16>, vector<1000x512xbf16>, vector<1000x512xf32> -> vector<1000x512xf32>
    %swap3A = arith.constant 0 : index
    %swap3A_8 = arith.constant 0 : index
    %swap3A_9 = vector.load %arg3[%swap3A, %swap3A_8] : memref<1000x512xf32, #tpu.memory_space<vmem>>, vector<1000x512xf32>
    tpu.vector_store %arg3[%swap3A, %swap3A_8], %dot_general3A_7 {strides = array<i32>} : memref<1000x512xf32, #tpu.memory_space<vmem>>, vector<1000x512xf32>,
    return
  }
  func.func @transform_0(%arg0: i32) -> (i32, i32) {
    %c0_i32 = arith.constant 0 : i32
    %c0_i32_0 = arith.constant 0 : i32
    %c0_i32_1 = arith.constant 0 : i32
    return %c0_i32, %c0_i32_0 : i32, i32
  }
  func.func @transform_1(%arg0: i32) -> i32 {
    %add3A = arith.constant 60 : i32
    %add3A_0 = arith.addi %add3A, %arg0 : i32
    %c0_i32 = arith.constant 0 : i32
    return %add3A_0 : i32
  }
  func.func @transform_2(%arg0: i32) -> (i32, i32) {
    %add3A = arith.constant 60 : i32
    %add3A_0 = arith.addi %add3A, %arg0 : i32
    %c0_i32 = arith.constant 0 : i32
    %c0_i32_1 = arith.constant 0 : i32
    return %c0_i32, %add3A_0 : i32, i32
  }
}

module attributes {stable_mosaic.version = 14 : i64} {
  func.func @_tr_body2(%arg0: i32, %arg1: memref<512x1024xf32, #tpu.memory_space<vmem>>, %arg2: memref<1000x51200xf32, #tpu.memory_space<hbm>>, %arg3: memref<1000x512xf32, #tpu.memory_space<vmem>>) attributes {dimension_semantics = [#tpu.dimension_semantics<arbitrary>], iteration_bounds = array<i64: 30>, scalar_prefetch = 0 : i64, scratch_operands = 0 : i64, tpu.core_type = #tpu.core_type<tc>, window_params = [{transform_indices = @transform_0, window_bounds = array<i64: 512, 1024>}, {}, {transform_indices = @transform_2, window_bounds = array<i64: 1000, 512>}]} {
    %get3A = arith.constant 0 : index
    %get3A_0 = arith.constant 0 : index
    %get3A_1 = vector.load %arg1[%get3A, %get3A_0] : memref<512x1024xf32, #tpu.memory_space<vmem>>, vector<512x1024xf32>
    %transpose3A = tpu.transpose %get3A_1, [1, 0] : vector<512x1024xf32> -> vector<1024x512xf32>
    %slice3A = vector.extract_strided_slice %transpose3A {offsets = [0, 0], sizes = [1000, 512], strides = [1, 1]} : vector<1024x512xf32> to vector<1000x512xf32>
    %swap3A = arith.constant 0 : index
    %swap3A_2 = arith.constant 0 : index
    %swap3A_3 = vector.load %arg3[%swap3A, %swap3A_2] : memref<1000x512xf32, #tpu.memory_space<vmem>>, vector<1000x512xf32>
    tpu.vector_store %arg3[%swap3A, %swap3A_2], %slice3A {strides = array<i32>} : memref<1000x512xf32, #tpu.memory_space<vmem>>, vector<1000x512xf32>,
    return
  }
  func.func @transform_0(%arg0: i32) -> (i32, i32) {
    %c0_i32 = arith.constant 0 : i32
    %c0_i32_0 = arith.constant 0 : i32
    return %arg0, %c0_i32 : i32, i32
  }
  func.func @transform_2(%arg0: i32) -> (i32, i32) {
    %add3A = arith.constant 0 : i32
    %add3A_0 = arith.addi %add3A, %arg0 : i32
    %c0_i32 = arith.constant 0 : i32
    %c0_i32_1 = arith.constant 0 : i32
    return %c0_i32, %add3A_0 : i32, i32
  }
}

module attributes {stable_mosaic.version = 14 : i64} {
  func.func @_tr_body2(%arg0: i32, %arg1: memref<512x1024xf32, #tpu.memory_space<vmem>>, %arg2: memref<1000x51200xf32, #tpu.memory_space<hbm>>, %arg3: memref<1000x512xf32, #tpu.memory_space<vmem>>) attributes {dimension_semantics = [#tpu.dimension_semantics<arbitrary>], iteration_bounds = array<i64: 30>, scalar_prefetch = 0 : i64, scratch_operands = 0 : i64, tpu.core_type = #tpu.core_type<tc>, window_params = [{transform_indices = @transform_0, window_bounds = array<i64: 512, 1024>}, {}, {transform_indices = @transform_2, window_bounds = array<i64: 1000, 512>}]} {
    %get3A = arith.constant 0 : index
    %get3A_0 = arith.constant 0 : index
    %get3A_1 = vector.load %arg1[%get3A, %get3A_0] : memref<512x1024xf32, #tpu.memory_space<vmem>>, vector<512x1024xf32>
    %transpose3A = tpu.transpose %get3A_1, [1, 0] : vector<512x1024xf32> -> vector<1024x512xf32>
    %slice3A = vector.extract_strided_slice %transpose3A {offsets = [0, 0], sizes = [1000, 512], strides = [1, 1]} : vector<1024x512xf32> to vector<1000x512xf32>
    %swap3A = arith.constant 0 : index
    %swap3A_2 = arith.constant 0 : index
    %swap3A_3 = vector.load %arg3[%swap3A, %swap3A_2] : memref<1000x512xf32, #tpu.memory_space<vmem>>, vector<1000x512xf32>
    tpu.vector_store %arg3[%swap3A, %swap3A_2], %slice3A {strides = array<i32>} : memref<1000x512xf32, #tpu.memory_space<vmem>>, vector<1000x512xf32>,
    return
  }
  func.func @transform_0(%arg0: i32) -> (i32, i32) {
    %c0_i32 = arith.constant 0 : i32
    %c0_i32_0 = arith.constant 0 : i32
    return %arg0, %c0_i32 : i32, i32
  }
  func.func @transform_2(%arg0: i32) -> (i32, i32) {
    %add3A = arith.constant 30 : i32
    %add3A_0 = arith.addi %add3A, %arg0 : i32
    %c0_i32 = arith.constant 0 : i32
    %c0_i32_1 = arith.constant 0 : i32
    return %c0_i32, %add3A_0 : i32, i32
  }
}

module attributes {stable_mosaic.version = 14 : i64} {
  func.func @_fin_body(%arg0: memref<32x16xf32, #tpu.memory_space<vmem>>, %arg1: memref<1x1xf32, #tpu.memory_space<vmem>>) attributes {dimension_semantics = [], scalar_prefetch = 0 : i64, scratch_operands = 0 : i64, tpu.core_type = #tpu.core_type<tc>} {
    %get3A = arith.constant 0 : index
    %get3A_0 = arith.constant 0 : index
    %get3A_1 = vector.load %arg0[%get3A, %get3A_0] : memref<32x16xf32, #tpu.memory_space<vmem>>, vector<32x16xf32>
    %reduce_sum3A = vector.shape_cast %get3A_1 : vector<32x16xf32> to vector<1x32x16xf32>
    %reduce_sum3A_2 = arith.constant dense<0.000000e+00> : vector<1xf32>
    %reduce_sum3A_3 = vector.multi_reduction <add>, %reduce_sum3A, %reduce_sum3A_2 [1, 2] : vector<1x32x16xf32> to vector<1xf32>
    %reduce_sum3A_4 = vector.shape_cast %reduce_sum3A_3 : vector<1xf32> to vector<1x1x1xf32>
    %reduce_sum3A_5 = vector.extract %reduce_sum3A_4[0, 0, 0] : f32 from vector<1x1x1xf32>
    %mul3A = arith.constant 1.95312496E-5 : f32
    %mul3A_6 = arith.mulf %reduce_sum3A_5, %mul3A : f32
    %reshape3A = vector.broadcast %mul3A_6 : f32 to vector<1x1xf32>
    %swap3A = arith.constant 0 : index
    %swap3A_7 = arith.constant 0 : index
    %swap3A_8 = vector.load %arg1[%swap3A, %swap3A_7] : memref<1x1xf32, #tpu.memory_space<vmem>>, vector<1x1xf32>
    tpu.vector_store %arg1[%swap3A, %swap3A_7], %reshape3A {strides = array<i32>} : memref<1x1xf32, #tpu.memory_space<vmem>>, vector<1x1xf32>,
    return
  }
}

</mosaic_0001>

<sc_bundles>
// kernel: kernel.10.cloned.1.call-start
scs
__scs_entry_jumppad:
0x0: {  	(pc) =	sbr.rel $0x88, $3  }
0x1: {  	(tag) =	ssettag $0x0;
	lr =	simm.s32 $0x1  }
0x2: {  	[smem:$0x3F9E] =	sst lr;
	_ =	strace $0xD0000000  }
0x3: {  	_ = 	snop  }
0x4: {  	_ = 	snop  }
0x5: {  	_ = 	snop  }
0x6: {  	_ = 	snop  }
0x7: {  	_ = 	snop  }
__scs_overlays_trampoline_lowered:
0x8: {  	[smem:$0x3FAD] =	sst s0  }
0x9: {  	[smem:$0x3FAE] =	sst s1  }
0xa: {  	[smem:$0x3FAF] =	sst s2  }
0xb: {  	[smem:$0x3FB0] =	sst s3  }
0xc: {  	[smem:$0x3FB1] =	sst s4  }
0xd: {  	[smem:$0x3FB2] =	sst s5  }
0xe: {  	[smem:$0x3FB3] =	sst s6  }
0xf: {  	[smem:$0x3FB4] =	sst s7  }
0x10: {  	[smem:$0x3FB5] =	sst s8  }
0x11: {  	[smem:$0x3FB6] =	sst s9;
	s0 =	simm.s32 @!p0 $0x0  }
0x12: {  	s1 =	sld [smem:$0x3F9C];
	s0 =	simm.s32 @p0 $0x1  }
0x13: {  	[smem:$0x3FB7] =	sst s0;
	s0 =	simm.s32 @!p1 $0x0  }
0x14: {  	s2 =	sld [smem:$0x3F9B];
	s0 =	simm.s32 @p1 $0x1  }
0x15: {  	[smem:$0x3FB8] =	sst s0;
	s0 =	simm.s32 @!p2 $0x0  }
0x16: {  	s3 =	sld [smem:$0x3FDB];
	s0 =	simm.s32 @p2 $0x1  }
0x17: {  	s4 =	simm.s32 $0x1BF5;
	[smem:$0x3FBA] =	sst s0  }
0x18: {  	s0 =	sld [smem:$0x3F9D];
	_ =	swait.ge [sflag:s4], $0x0  }
0x19: {  	s7 =	sld [smem:$0x3F9E]  }
0x1a: {  	s8 =	sadd.s32 $0xFFFFE003, lr  }
0x1b: {  	s9 =	sadd.s32 $0xFFFFFEF7, lr;
	s5 =	simm.s32 $0xFFFFFFFF;
	p2 =	slt.u32 s8, $0xFFFFF086  }
0x1c: {  	p1 =	slt.u32 s9, $0xF7A;
	s5 =	simm.s32 @!p2 $0x0  }
0x1d: {  	s5 =	simm.s32 @p1 $0x1;
	p0 =	seq.s32 s7, s2  }
0x1e: {  	s7 =	smul.u32 @!p0 $0xF7A, s2;
	p2 =	seq.s32 @!p0 s5, $0x0  }
0x1f: {  	s9 =	smul.u32 $0xF7A, s1;
	s8 =	simm.s32 @!p0 $0x1BF5;
	p2 =	por !p2, p0  }
0x20: {  	[sflag:s8] =	ssyncset.s32 @!p0 $0xFFFFF086;
	s6 =	sadd.s32 @!p0 s3, s7;
	s7 =	simm.s32 @!p0 $0x108  }
0x21: {  	s3 =	sadd.s32 s3, s9;
	s6 =	sadd.s32 @!p0 $0x88, s6;
	s7 =	simm.s32 @p2 $0x1082  }
0x22: {  	[simem:s7], [sflag:s8] =	dma.local @!p0 [hbm:s6], $0xF7A  }
0x23: {  	s9 =	sor.u32 $0xD0000000, s2;
	s6 =	simm.s32 $0x108;
	_ =	swait.ge @!p0 [sflag:s8], $0x0  }
0x24: {  	s3 =	sadd.s32 $0x88, s3;
	s6 =	simm.s32 @!p1 $0x1082;
	[sflag:s4] =	ssyncset.s32 $0xFFFFF086  }
0x25: {  	[simem:s6], [sflag:s4] =	dma.local [hbm:s3], $0xF7A  }
0x26: {  	[smem:$0x3F9E] =	sst s1;
	(tag) =	ssettag s2;
	_ =	strace s9  }
0x27: {  	s1 =	sld [smem:$0x3FAE]  }
0x28: {  	s2 =	sld [smem:$0x3FAF]  }
0x29: {  	s4 =	sld [smem:$0x3FB1]  }
0x2a: {  	p0 =	seq.s32 s5, $0x0;
	s5 =	sld [smem:$0x3FB2]  }
0x2b: {  	s6 =	sld [smem:$0x3FB3]  }
0x2c: {  	s7 =	sld [smem:$0x3FB4]  }
0x2d: {  	s3 =	simm.s32 $0x108;
	s8 =	sld [smem:$0x3FB5]  }
0x2e: {  	s3 =	simm.s32 @!p0 $0x1082;
	s9 =	sld [smem:$0x3FB6]  }
0x2f: {  	lr =	sadd.s32 s0, s3;
	s0 =	sld [smem:$0x3FAD]  }
0x30: {  	s3 =	sld [smem:$0x3FB0]  }
0x31: {  	[smem:$0x3FB9] =	sst s10  }
0x32: {  	s10 =	sld [smem:$0x3FB7];
	_ =	sdelay $0x3  }
0x33: {  	p0 =	seq.s32 s10, $0x1;
	s10 =	sld [smem:$0x3FB9];
	_ =	sdelay $0x3  }
0x34: {  	[smem:$0x3FB9] =	sst s10  }
0x35: {  	s10 =	sld [smem:$0x3FB8];
	_ =	sdelay $0x3  }
0x36: {  	p1 =	seq.s32 s10, $0x1;
	s10 =	sld [smem:$0x3FB9];
	_ =	sdelay $0x3  }
0x37: {  	[smem:$0x3FB9] =	sst s10  }
0x38: {  	s10 =	sld [smem:$0x3FBA]  }
0x39: {  	_ = 	snop;
	(pc) =	sbr.ind lr, $3  }
0x3a: {  	_ = 	snop  }
0x3b: {  	_ = 	snop  }
0x3c: {  	p2 =	seq.s32 s10, $0x1;
	s10 =	sld [smem:$0x3FB9]  }
0x3d: {  	_ =	shalt  }
0x3e: {  	_ =	shalt  }
0x3f: {  	_ =	shalt  }
0x40: {  	_ =	shalt  }
0x41: {  	_ =	shalt  }
0x42: {  	_ =	shalt  }
0x43: {  	_ =	shalt  }
0x44: {  	_ =	shalt  }
0x45: {  	_ =	shalt  }
0x46: {  	_ =	shalt  }
0x47: {  	_ =	shalt  }
0x48: {  	_ =	shalt  }
0x49: {  	_ =	shalt  }
0x4a: {  	_ =	shalt  }
0x4b: {  	_ =	shalt  }
0x4c: {  	_ =	shalt  }
0x4d: {  	_ =	shalt  }
0x4e: {  	_ =	shalt  }
0x4f: {  	_ =	shalt  }
0x50: {  	_ =	shalt  }
0x51: {  	_ =	shalt  }
0x52: {  	_ =	shalt  }
0x53: {  	_ =	shalt  }
0x54: {  	_ =	shalt  }
0x55: {  	_ =	shalt  }
0x56: {  	_ =	shalt  }
0x57: {  	_ =	shalt  }
0x58: {  	_ =	shalt  }
0x59: {  	_ =	shalt  }
0x5a: {  	_ =	shalt  }
0x5b: {  	_ =	shalt  }
0x5c: {  	_ =	shalt  }
0x5d: {  	_ =	shalt  }
0x5e: {  	_ =	shalt  }
0x5f: {  	_ =	shalt  }
0x60: {  	_ =	shalt  }
0x61: {  	_ =	shalt  }
0x62: {  	_ =	shalt  }
0x63: {  	_ =	shalt  }
0x64: {  	_ =	shalt  }
0x65: {  	_ =	shalt  }
0x66: {  	_ =	shalt  }
0x67: {  	_ =	shalt  }
0x68: {  	_ =	shalt  }
0x69: {  	_ =	shalt  }
0x6a: {  	_ =	shalt  }
0x6b: {  	_ =	shalt  }
0x6c: {  	_ =	shalt  }
0x6d: {  	_ =	shalt  }
0x6e: {  	_ =	shalt  }
0x6f: {  	_ =	shalt  }
0x70: {  	_ =	shalt  }
0x71: {  	_ =	shalt  }
0x72: {  	_ =	shalt  }
0x73: {  	_ =	shalt  }
0x74: {  	_ =	shalt  }
0x75: {  	_ =	shalt  }
0x76: {  	_ =	shalt  }
0x77: {  	_ =	shalt  }
0x78: {  	_ =	shalt  }
0x79: {  	_ =	shalt  }
0x7a: {  	_ =	shalt  }
0x7b: {  	_ =	shalt  }
0x7c: {  	_ =	shalt  }
0x7d: {  	_ =	shalt  }
0x7e: {  	_ =	shalt  }
0x7f: {  	_ =	shalt  }
0x80: {  	_ =	shalt  }
0x81: {  	_ =	shalt  }
0x82: {  	_ =	shalt  }
0x83: {  	_ =	shalt  }
0x84: {  	_ =	shalt  }
0x85: {  	_ =	shalt  }
0x86: {  	_ =	shalt  }
0x87: {  	_ =	shalt  }
.Lfunc_end0:
.L_simem_size_0:
called_computation_lowered:
.L_overlay_start_0:
0x88: {  	s2 =	sld [smem:$0x3FD9]  }
0x89: {  	s3 =	sld [smem:$0x3FFE];
	_ =	sdelay $0x1  }
0x8a: {  	s1 =	srdreg.scid  }
0x8b: {  	s0 =	sand.u32 $0x1, s1  }
0x8c: {  	s17 =	sshll.u32 s0, $0xA;
	s2 =	sadd.s32 s3, s2  }
0x8d: {  	s2 =	sadd.s32 s2, s17  }
0x8e: {  	[smem:$0x3FC5] =	sst s2  }
0x8f: {  	_ = 	snop  }
0x90: {  	(tm) =	ssettm $0x1  }
0x91: {  	s18 =	sld [smem:$0x3FFB];
	_ =	sdelay $0x3  }
0x92: {  	_ =	strace s18  }
0x93: {  	s2 =	sld [smem:$0x3FFC];
	_ =	sdelay $0x3  }
0x94: {  	_ =	strace s2  }
0x95: {  	s2 =	sld [smem:$0x3FFD];
	_ =	sdelay $0x3  }
0x96: {  	_ =	strace s2  }
0x97: {  	_ =	strace $0x8FFFFFFF  }
0x98: {  	s19 =	sld [smem:$0x3FDB];
	_ =	sdelay $0x1  }
0x99: {  	s20 =	simm.s32 $_scs_section_size  }
0x9a: {  	s4 =	simm.s32 $_size__tile_overlayer_lowered;
	s5 =	simm.s32 $_tile_overlayer_lowered  }
0x9b: {  	s6 =	simm.s32 $0x1BFF;
	s21 =	sshll.u32 s5, $0x1;
	s3 =	sadd.s32 s20, s19  }
0x9c: {  	s22 =	simm.s32 $0x0;
	s4 =	sshll.u32 s4, $0x1;
	s5 =	sadd.s32 s21, s3  }
0x9d: {  	[timem:s22], [sflag:s6] =	dma.local [hbm:s5], s4  }
0x9e: {  	_ =	swait.ge [sflag:s6], s4  }
0x9f: {  	s4 =	ssub.s32 $0x0, s4;
	[sflag:s6] =	ssyncset.done $0x0  }
0xa0: {  	[sflag:s6] =	ssyncadd.s32 s4;
	_ =	sdelay $0x1  }
0xa1: {  	s23 =	simm.s32 $0x1B8B  }
0xa2: {  	_ =	swait.ge [sflag:s23], $0x1  }
0xa3: {  	[sflag:s23] =	ssyncset.done $0x0  }
0xa4: {  	[sflag:s23] =	ssyncadd.s32 $0xFFFFFFFF  }
0xa5: {  	s4 =	sld [smem:$0x0]  }
0xa6: {  	s5 =	sand.u32 $0xFFFFFFFE, s1  }
0xa7: {  	p0 =	sne.s32 s1, s5  }
0xa8: {  	s5 =	sshll.u32 @p0 s5, $0xE  }
0xa9: {  	s5 =	sadd.s32 @p0 $0x11B8D, s5;
	s6 =	sshll.u32 @p0 s4, $0x11  }
0xaa: {  	s5 =	sor.u32 @p0 s6, s5  }
0xab: {  	[sflag:s5] =	ssyncadd.remote.s32 @p0 $0x1;
	_ =	sdelay $0x1  }
0xac: {  	s5 =	simm.s32 @p0 $0x1B8D  }
0xad: {  	_ =	swait.eq @p0 [sflag:s5], $0x1  }
0xae: {  	[sflag:s5] =	ssyncadd.s32 @p0 $0xFFFFFFFF  }
0xaf: {  	s6 =	sshll.u32 @!p0 s1, $0xE  }
0xb0: {  	s6 =	sor.u32 @!p0 $0x4000, s6;
	s5 =	simm.s32 @!p0 $0x1B8D  }
0xb1: {  	s4 =	sshll.u32 @!p0 s4, $0x11;
	s6 =	sadd.s32 @!p0 $0x11B8D, s6;
	_ =	swait.eq @!p0 [sflag:s5], $0x1  }
0xb2: {  	s4 =	sor.u32 @!p0 s4, s6;
	[sflag:s5] =	ssyncadd.s32 @!p0 $0xFFFFFFFF  }
0xb3: {  	s25 =	simm.s32 $0x1B8E;
	s24 =	sld [smem:$0x3FFE];
	[sflag:s4] =	ssyncadd.remote.s32 @!p0 $0x1  }
0xb4: {  	s26 =	simm.s32 $execute0_lowered;
	[smem:$0x3FD2] =	sst s25  }
0xb5: {  	s5 =	sshll.u32 s26, $0x1;
	_ =	strace $0x80000049;
	[dreg:$0x1] =	wrdreg $0xFFFFFFFF  }
0xb6: {  	s28 =	simm.s32 $_size_execute0_lowered;
	s3 =	sadd.s32 s3, s5;
	[dreg:$0x0] =	wrdreg $0x0  }
0xb7: {  	s5 =	sshll.u32 s28, $0x1;
	[dreg:$0x2] =	wrdreg s3  }
0xb8: {  	[dreg:$0x3] =	wrdreg s5  }
0xb9: {  	[dreg:$0x4] =	wrdreg $0xC0  }
0xba: {  	_ =	task [dreg:s22], $0x5FFFF  }
0xbb: {  	[dreg:$0x1] =	wrdreg $0xFFFFFFFF  }
0xbc: {  	[dreg:$0x0] =	wrdreg $0x60  }
0xbd: {  	[dreg:$0x2] =	wrdreg s24  }
0xbe: {  	[dreg:$0x3] =	wrdreg $0x9  }
0xbf: {  	_ =	task.clear_ibuf [dreg:s22], $0x4FFFF;
	_ =	strace $0x90000049  }
0xc0: {  	s29 =	simm.s32 $0x9;
	_ =	strace $0x8000004B  }
0xc1: {  	_ =	swait.ge [sflag:s29], $0x1  }
0xc2: {  	[sflag:s29] =	ssyncadd.s32 $0xFFFFFFFF  }
0xc3: {  	_ =	strace $0x9000004B  }
0xc4: {  	_ =	sfence  }
0xc5: {  	s30 =	sld [smem:$0x0];
	_ =	sdelay $0x2  }
0xc6: {  	s31 =	sshll.u32 s1, $0xD;
	s1 =	sshrl.u32 s1, $0x2  }
0xc7: {  	s4 =	sand.u32 $0x4000, s31;
	s1 =	sadd.s32 s1, s30  }
0xc8: {  	s0 =	sor.u32 s4, s0;
	s1 =	sshll.u32 s1, $0x11  }
0xc9: {  	s0 =	sor.u32 s1, s0  }
0xca: {  	s0 =	sadd.s32 $0x8F2B, s0  }
0xcb: {  	[sflag:s0] =	ssyncadd.remote.s32 $0x1  }
0xcc: {  	_ =	sfence.sel $0xFFFF  }
0xcd: {  	[dreg:$0x0] =	wrdreg $0xFFFFFFFF;
	(pc) =	sbr.abs _section_cstart, $3  }
0xce: {  	[dreg:$0x1] =	wrdreg $0xFFFFFFFF  }
0xcf: {  	_ =	task.clear_ibuf [dreg:s22], $0x2FFFF;
	_ =	strace $0x9FFFFFFF  }
0xd0: {  	(tm) =	ssettm $0x7FFFFFFF  }
0xd1: {  	_ =	shalt  }
tec
execute0_lowered:
.L_overlay_start_1:
0x0: {  	(tag) =	ssettag $0x1  }
0x1: {  	s0 =	srdreg.scid  }
0x2: {  	s3 =	stileid.u32;
	s4 =	rddreg [dreg:$0x0];
	s2 =	simm.s32 $0x0  }
0x3: {  	s11 =	simm.s32 $0x200;
	s10 =	simm.s32 $0xC200;
	s12 =	simm.s32 $0xCA00  }
0x4: {  	s13 =	simm.s32 $0xD200;
	s14 =	simm.s32 $0xDA00;
	s15 =	simm.s32 $0xE200  }
0x5: {  	s16 =	simm.s32 $0xEA00;
	s17 =	simm.s32 $0xF200;
	s18 =	simm.s32 $0xFA00  }
0x6: {  	s19 =	simm.s32 $0x10200;
	s20 =	simm.s32 $0x10A00;
	s21 =	simm.s32 $0x11200  }
0x7: {  	s22 =	simm.s32 $0x11A00;
	s23 =	simm.s32 $0x12200;
	s24 =	simm.s32 $0x12A00  }
0x8: {  	s28 =	simm.s32 $0x1;
	s29 =	simm.s32 $0x2;
	s30 =	simm.s32 $0x3  }
0x9: {  	s31 =	simm.s32 $0x4;
	s0 =	sand.u32 $0x1, s0;
	s1 =	sshll.u32 s3, $0x1  }
0xa: {  	[smem:$0x7FF] =	sst s2;
	s5 =	smul.u32 $0x1E000, s3;
	s3 =	sadd.s32 $0x2200, s4  }
0xb: {  	s1 =	sor.u32 s0, s1;
	s6 =	ssub.s32 $0x2, s0;
	s0 =	smul.u32 $0xF000, s0  }
0xc: {  	s7 =	sadd.s32 $0x2500, s4;
	_ =	strace $0x8000004A;
	s1 =	smul.u32 $0x1E0, s1  }
0xd: {  	s8 =	sadd.s32 s5, s4;
	s25 =	sshrl.u32 s6, $0x1;
	s5 =	sadd.s32 $0x2300, s4  }
.Ltmp0:
0xe: {  	s9 =	ssub.s32 s6, s25;
	s6 =	sadd.s32 $0x2400, s4;
	(pc) =	sbr.rel .LBB2_1-.Ltmp0, $4  }
0xf: {  	s0 =	sadd.s32 s0, s8;
	s25 =	simm.s32 $0x13200;
	s1 =	sshrl.u32 s1, $0x3  }
0x10: {  	v2 =	vlaneseq.u32;
	s26 =	smax.u32 s9, $0x1;
	s9 =	sadd.s32 $0x204200, s0;
	s1 =	sadd.s32 s1, s4  }
0x11: {  	vm0 =	vmmov $0xffff;
	v1 =	vshrl.u32 v2, $0x3;
	[dreg:$0x3] =	wrdreg s26;
	s26 =	simm.s32 $0x13A00;
	s1 =	sadd.s32 $0x23A00, s1  }
0x12: {  	v0 =	vand.u32 $0x7, v2;
	v2 =	vor.u32 $0x8, v2;
	v1 =	vmul.u32 $0x8, v1;
	s4 =	simm.s32 $0x0;
	[dreg:$0x2] =	wrdreg s1;
	s1 =	simm.s32 $0xA200  }
.LBB2_4:
0x13: {  	_ =	swait.ge [sflag:s31], $0xA000  }
0x14: {  	s4 =	rddreg [dreg:$0x4]  }
0x15: {  	s0 =	rddreg [dreg:$0x3];
	s4 =	sadd.s32 $0x1, s4  }
0x16: {  	p0 =	sne.s32 s4, s0  }
.Ltmp1:
0x17: {  	_ = 	snop;
	(pc) =	sbr.rel @!p0 .LBB2_5-.Ltmp1, $3  }
0x18: {  	_ =	sdelay $0x1  }
0x19: {  	[sflag:s31] =	ssyncset.done $0x0  }
0x1a: {  	[sflag:s31] =	ssyncadd.s32 $0xFFFF6000  }
.LBB2_1:
0x1b: {  	[dreg:$0x4] =	wrdreg s4  }
0x1c: {  	s0 =	rddreg [dreg:$0x2];
	s8 =	simm.s32 $0x5  }
0x1d: {  	[tilespmem:s2], [sflag:$0x5] =	stream.linear.gather [hbm4b:s0+s2], $0x1E0, $0x38;
	[tilespmem:$0x14200] =	vst v63  }
0x1e: {  	_ =	swait.ge [sflag:s8], $0x1E0  }
0x1f: {  	[sflag:s8] =	ssyncset.done $0x0  }
0x20: {  	[sflag:s8] =	ssyncadd.s32 $0xFFFFFE20  }
0x21: {  	v3 =	vld [tilespmem:$0x0];
	_ =	sdelay $0x4  }
0x22: {  	v4 =	vshll.u32 v3, $0x3  }
0x23: {  	v3 =	vand.u32 $0x7, v3;
	v4 =	vand.u32 $0xFFFFFFC0, v4  }
0x24: {  	v3 =	vor.u32 v3, v4  }
0x25: {  	v4 =	vperm.xlane v3, v0;
	_ =	sdelay $0x1  }
0x26: {  	v4 =	vadd.s32 v1, v4;
	_ =	sdelay $0x4  }
0x27: {  	[tilespmem:s11], [sflag:$0x1] =	stream.indirect_vreg.gather [hbm4b:s3+s2], $0x80, v4, vm0, $0xb8;
	[tilespmem:$0x14200] =	vst v63  }
0x28: {  	s4 =	simm.s32 $0xA00;
	v3 =	vperm.xlane v3, v2  }
0x29: {  	[tilespmem:s4], [sflag:$0x1] =	stream.indirect_vreg.gather [hbm4b:s5+s2], $0x80, v4, vm0, $0xb8;
	[tilespmem:$0x14200] =	vst v63  }
0x2a: {  	s8 =	simm.s32 $0x1200;
	v3 =	vadd.s32 v1, v3  }
0x2b: {  	[tilespmem:s8], [sflag:$0x1] =	stream.indirect_vreg.gather [hbm4b:s6+s2], $0x80, v4, vm0, $0xb8;
	[tilespmem:$0x14200] =	vst v63  }
0x2c: {  	s4 =	simm.s32 $0x1A00  }
0x2d: {  	[tilespmem:s4], [sflag:$0x1] =	stream.indirect_vreg.gather [hbm4b:s7+s2], $0x80, v4, vm0, $0xb8;
	[tilespmem:$0x14200] =	vst v63  }
0x2e: {  	s8 =	simm.s32 $0x2200  }
0x2f: {  	[tilespmem:s8], [sflag:$0x1] =	stream.indirect_vreg.gather [hbm4b:s3+s2], $0x80, v3, vm0, $0xb8;
	[tilespmem:$0x14200] =	vst v63  }
0x30: {  	s4 =	simm.s32 $0x2A00  }
0x31: {  	[tilespmem:s4], [sflag:$0x1] =	stream.indirect_vreg.gather [hbm4b:s5+s2], $0x80, v3, vm0, $0xb8;
	[tilespmem:$0x14200] =	vst v63  }
0x32: {  	s8 =	simm.s32 $0x3200  }
0x33: {  	[tilespmem:s8], [sflag:$0x1] =	stream.indirect_vreg.gather [hbm4b:s6+s2], $0x80, v3, vm0, $0xb8;
	[tilespmem:$0x14200] =	vst v63  }
0x34: {  	s4 =	simm.s32 $0x3A00  }
0x35: {  	[tilespmem:s4], [sflag:$0x1] =	stream.indirect_vreg.gather [hbm4b:s7+s2], $0x80, v3, vm0, $0xb8;
	[tilespmem:$0x14200] =	vst v63  }
0x36: {  	v3 =	vld [tilespmem:$0x10];
	_ =	sdelay $0x4  }
0x37: {  	v59 =	vshll.u32 v3, $0x3  }
0x38: {  	v3 =	vand.u32 $0x7, v3;
	v4 =	vand.u32 $0xFFFFFFC0, v59  }
0x39: {  	v3 =	vor.u32 v3, v4  }
0x3a: {  	v4 =	vperm.xlane v3, v0;
	_ =	sdelay $0x1  }
0x3b: {  	v4 =	vadd.s32 v1, v4;
	_ =	sdelay $0x3  }
0x3c: {  	s8 =	simm.s32 $0x4200  }
0x3d: {  	[tilespmem:s8], [sflag:$0x1] =	stream.indirect_vreg.gather [hbm4b:s3+s2], $0x80, v4, vm0, $0xb8;
	[tilespmem:$0x14200] =	vst v63  }
0x3e: {  	s4 =	simm.s32 $0x4A00;
	v3 =	vperm.xlane v3, v2  }
0x3f: {  	[tilespmem:s4], [sflag:$0x1] =	stream.indirect_vreg.gather [hbm4b:s5+s2], $0x80, v4, vm0, $0xb8;
	[tilespmem:$0x14200] =	vst v63  }
0x40: {  	v3 =	vadd.s32 v1, v3;
	s8 =	simm.s32 $0x5200  }
0x41: {  	[tilespmem:s8], [sflag:$0x1] =	stream.indirect_vreg.gather [hbm4b:s6+s2], $0x80, v4, vm0, $0xb8;
	[tilespmem:$0x14200] =	vst v63  }
0x42: {  	s4 =	simm.s32 $0x5A00  }
0x43: {  	[tilespmem:s4], [sflag:$0x1] =	stream.indirect_vreg.gather [hbm4b:s7+s2], $0x80, v4, vm0, $0xb8;
	[tilespmem:$0x14200] =	vst v63  }
0x44: {  	s8 =	simm.s32 $0x6200  }
0x45: {  	[tilespmem:s8], [sflag:$0x1] =	stream.indirect_vreg.gather [hbm4b:s3+s2], $0x80, v3, vm0, $0xb8;
	[tilespmem:$0x14200] =	vst v63  }
0x46: {  	s4 =	simm.s32 $0x6A00  }
0x47: {  	[tilespmem:s4], [sflag:$0x1] =	stream.indirect_vreg.gather [hbm4b:s5+s2], $0x80, v3, vm0, $0xb8;
	[tilespmem:$0x14200] =	vst v63  }
0x48: {  	s8 =	simm.s32 $0x7200  }
0x49: {  	[tilespmem:s8], [sflag:$0x1] =	stream.indirect_vreg.gather [hbm4b:s6+s2], $0x80, v3, vm0, $0xb8;
	[tilespmem:$0x14200] =	vst v63  }
0x4a: {  	s4 =	simm.s32 $0x7A00  }
0x4b: {  	[tilespmem:s4], [sflag:$0x1] =	stream.indirect_vreg.gather [hbm4b:s7+s2], $0x80, v3, vm0, $0xb8;
	[tilespmem:$0x14200] =	vst v63  }
0x4c: {  	v3 =	vld.msk [tilespmem:$0x20], $0xff;
	_ =	sdelay $0x4  }
0x4d: {  	v60 =	vshll.u32 v3, $0x3  }
0x4e: {  	v3 =	vand.u32 $0x7, v3;
	v4 =	vand.u32 $0xFFFFFFC0, v60  }
0x4f: {  	v3 =	vor.u32 v3, v4  }
0x50: {  	v3 =	vperm.xlane v3, v0;
	_ =	sdelay $0x1  }
0x51: {  	v3 =	vadd.s32 v1, v3;
	_ =	sdelay $0x3  }
0x52: {  	s8 =	simm.s32 $0x8200  }
0x53: {  	[tilespmem:s8], [sflag:$0x1] =	stream.indirect_vreg.gather [hbm4b:s3+s2], $0x80, v3, vm0, $0xb8;
	[tilespmem:$0x14200] =	vst v63  }
0x54: {  	s4 =	simm.s32 $0x8A00  }
0x55: {  	[tilespmem:s4], [sflag:$0x1] =	stream.indirect_vreg.gather [hbm4b:s5+s2], $0x80, v3, vm0, $0xb8;
	[tilespmem:$0x14200] =	vst v63  }
0x56: {  	s8 =	simm.s32 $0x9200  }
0x57: {  	[tilespmem:s8], [sflag:$0x1] =	stream.indirect_vreg.gather [hbm4b:s6+s2], $0x80, v3, vm0, $0xb8;
	[tilespmem:$0x14200] =	vst v63  }
0x58: {  	s4 =	simm.s32 $0x9A00  }
0x59: {  	[tilespmem:s4], [sflag:$0x1] =	stream.indirect_vreg.gather [hbm4b:s7+s2], $0x80, v3, vm0, $0xb8;
	[tilespmem:$0x14200] =	vst v63  }
0x5a: {  	v3 =	vld [tilespmem:$0x28];
	_ =	sdelay $0x4  }
0x5b: {  	v61 =	vshll.u32 v3, $0x3  }
0x5c: {  	v3 =	vand.u32 $0x7, v3;
	v4 =	vand.u32 $0xFFFFFFC0, v61  }
0x5d: {  	v3 =	vor.u32 v3, v4  }
0x5e: {  	v4 =	vperm.xlane v3, v0;
	_ =	sdelay $0x1  }
0x5f: {  	v4 =	vadd.s32 v1, v4;
	_ =	sdelay $0x4  }
0x60: {  	[tilespmem:s1], [sflag:$0x2] =	stream.indirect_vreg.gather [hbm4b:s3+s2], $0x80, v4, vm0, $0xb8;
	[tilespmem:$0x14200] =	vst v63  }
0x61: {  	s8 =	simm.s32 $0xAA00;
	v3 =	vperm.xlane v3, v2  }
0x62: {  	[tilespmem:s8], [sflag:$0x2] =	stream.indirect_vreg.gather [hbm4b:s5+s2], $0x80, v4, vm0, $0xb8;
	[tilespmem:$0x14200] =	vst v63  }
0x63: {  	s4 =	simm.s32 $0xB200;
	v3 =	vadd.s32 v1, v3  }
0x64: {  	[tilespmem:s4], [sflag:$0x2] =	stream.indirect_vreg.gather [hbm4b:s6+s2], $0x80, v4, vm0, $0xb8;
	[tilespmem:$0x14200] =	vst v63  }
0x65: {  	s8 =	simm.s32 $0xBA00  }
0x66: {  	[tilespmem:s8], [sflag:$0x2] =	stream.indirect_vreg.gather [hbm4b:s7+s2], $0x80, v4, vm0, $0xb8;
	[tilespmem:$0x14200] =	vst v63  }
0x67: {  	_ = 	snop  }
0x68: {  	[tilespmem:s10], [sflag:$0x2] =	stream.indirect_vreg.gather [hbm4b:s3+s2], $0x80, v3, vm0, $0xb8;
	[tilespmem:$0x14200] =	vst v63  }
0x69: {  	_ = 	snop  }
0x6a: {  	[tilespmem:s12], [sflag:$0x2] =	stream.indirect_vreg.gather [hbm4b:s5+s2], $0x80, v3, vm0, $0xb8;
	[tilespmem:$0x14200] =	vst v63  }
0x6b: {  	_ = 	snop  }
0x6c: {  	[tilespmem:s13], [sflag:$0x2] =	stream.indirect_vreg.gather [hbm4b:s6+s2], $0x80, v3, vm0, $0xb8;
	[tilespmem:$0x14200] =	vst v63  }
0x6d: {  	_ = 	snop  }
0x6e: {  	[tilespmem:s14], [sflag:$0x2] =	stream.indirect_vreg.gather [hbm4b:s7+s2], $0x80, v3, vm0, $0xb8;
	[tilespmem:$0x14200] =	vst v63  }
0x6f: {  	v3 =	vld [tilespmem:$0x38];
	_ =	sdelay $0x4  }
0x70: {  	v62 =	vshll.u32 v3, $0x3  }
0x71: {  	v3 =	vand.u32 $0x7, v3;
	v4 =	vand.u32 $0xFFFFFFC0, v62  }
0x72: {  	v3 =	vor.u32 v3, v4  }
0x73: {  	v4 =	vperm.xlane v3, v0;
	_ =	sdelay $0x1  }
0x74: {  	v4 =	vadd.s32 v1, v4;
	_ =	sdelay $0x4  }
0x75: {  	[tilespmem:s15], [sflag:$0x2] =	stream.indirect_vreg.gather [hbm4b:s3+s2], $0x80, v4, vm0, $0xb8;
	[tilespmem:$0x14200] =	vst v63  }
0x76: {  	v3 =	vperm.xlane v3, v2  }
0x77: {  	[tilespmem:s16], [sflag:$0x2] =	stream.indirect_vreg.gather [hbm4b:s5+s2], $0x80, v4, vm0, $0xb8;
	[tilespmem:$0x14200] =	vst v63  }
0x78: {  	v3 =	vadd.s32 v1, v3  }
0x79: {  	[tilespmem:s17], [sflag:$0x2] =	stream.indirect_vreg.gather [hbm4b:s6+s2], $0x80, v4, vm0, $0xb8;
	[tilespmem:$0x14200] =	vst v63  }
0x7a: {  	_ = 	snop  }
0x7b: {  	[tilespmem:s18], [sflag:$0x2] =	stream.indirect_vreg.gather [hbm4b:s7+s2], $0x80, v4, vm0, $0xb8;
	[tilespmem:$0x14200] =	vst v63  }
0x7c: {  	_ = 	snop  }
0x7d: {  	[tilespmem:s19], [sflag:$0x2] =	stream.indirect_vreg.gather [hbm4b:s3+s2], $0x80, v3, vm0, $0xb8;
	[tilespmem:$0x14200] =	vst v63  }
0x7e: {  	_ = 	snop  }
0x7f: {  	[tilespmem:s20], [sflag:$0x2] =	stream.indirect_vreg.gather [hbm4b:s5+s2], $0x80, v3, vm0, $0xb8;
	[tilespmem:$0x14200] =	vst v63  }
0x80: {  	_ = 	snop  }
0x81: {  	[tilespmem:s21], [sflag:$0x2] =	stream.indirect_vreg.gather [hbm4b:s6+s2], $0x80, v3, vm0, $0xb8;
	[tilespmem:$0x14200] =	vst v63  }
0x82: {  	_ = 	snop  }
0x83: {  	[tilespmem:s22], [sflag:$0x2] =	stream.indirect_vreg.gather [hbm4b:s7+s2], $0x80, v3, vm0, $0xb8;
	[tilespmem:$0x14200] =	vst v63  }
0x84: {  	v3 =	vld.msk [tilespmem:$0x48], $0xff;
	_ =	sdelay $0x4  }
0x85: {  	v63 =	vshll.u32 v3, $0x3  }
0x86: {  	v3 =	vand.u32 $0x7, v3;
	v4 =	vand.u32 $0xFFFFFFC0, v63  }
0x87: {  	v3 =	vor.u32 v3, v4  }
0x88: {  	v3 =	vperm.xlane v3, v0;
	_ =	sdelay $0x1  }
0x89: {  	v3 =	vadd.s32 v1, v3;
	_ =	sdelay $0x4  }
0x8a: {  	[tilespmem:s23], [sflag:$0x2] =	stream.indirect_vreg.gather [hbm4b:s3+s2], $0x80, v3, vm0, $0xb8;
	[tilespmem:$0x14200] =	vst v63  }
0x8b: {  	_ = 	snop  }
0x8c: {  	[tilespmem:s24], [sflag:$0x2] =	stream.indirect_vreg.gather [hbm4b:s5+s2], $0x80, v3, vm0, $0xb8;
	[tilespmem:$0x14200] =	vst v63  }
0x8d: {  	_ = 	snop  }
0x8e: {  	[tilespmem:s25], [sflag:$0x2] =	stream.indirect_vreg.gather [hbm4b:s6+s2], $0x80, v3, vm0, $0xb8;
	[tilespmem:$0x14200] =	vst v63  }
0x8f: {  	s0 =	simm.s32 $0x98;
	s4 =	simm.s32 $0x0  }
0x90: {  	[tilespmem:s26], [sflag:$0x2] =	stream.indirect_vreg.gather [hbm4b:s7+s2], $0x80, v3, vm0, $0xb8;
	[tilespmem:$0x14200] =	vst v63  }
.LBB2_2:
0x91: {  	_ =	swait.ge [sflag:s28], $0xA000  }
0x92: {  	[sflag:s28] =	ssyncset.done $0x0  }
0x93: {  	s8 =	sadd.s32 s4, s9;
	[sflag:s28] =	ssyncadd.s32 $0xFFFF6000  }
0x94: {  	[hbm4b:s8+s2] =	stream.linear.scatter [tilespmem:s11], [sflag:$0x3], $0xA000, $0x38;
	[tilespmem:$0x14200] =	vst v63  }
0x95: {  	_ =	swait.ge [sflag:s29], $0xA000  }
0x96: {  	p0 =	seq.s32 s4, $0xC800;
	[sflag:s29] =	ssyncset.done $0x0  }
.Ltmp2:
0x97: {  	s8 =	sadd.s32 $0x1400, s8;
	[sflag:s29] =	ssyncadd.s32 $0xFFFF6000;
	(pc) =	sbr.rel @p0 .LBB2_4-.Ltmp2, $4  }
0x98: {  	[hbm4b:s8+s2] =	stream.linear.scatter [tilespmem:s1], [sflag:$0x4], $0xA000, $0x38;
	[tilespmem:$0x14200] =	vst v63  }
0x99: {  	_ =	swait.ge [sflag:s30], $0xA000  }
0x9a: {  	[sflag:s30] =	ssyncset.done $0x0  }
0x9b: {  	[sflag:s30] =	ssyncadd.s32 $0xFFFF6000  }
0x9c: {  	v3 =	vld [tilespmem:s0+$0xFFFFFFB8];
	_ =	sdelay $0x4  }
0x9d: {  	v4 =	vshll.u32 v3, $0x3  }
0x9e: {  	v3 =	vand.u32 $0x7, v3;
	v4 =	vand.u32 $0xFFFFFFC0, v4  }
0x9f: {  	v3 =	vor.u32 v3, v4  }
0xa0: {  	v4 =	vperm.xlane v3, v0;
	_ =	sdelay $0x1  }
0xa1: {  	v4 =	vadd.s32 v1, v4;
	_ =	sdelay $0x4  }
0xa2: {  	[tilespmem:s11], [sflag:$0x1] =	stream.indirect_vreg.gather [hbm4b:s3+s2], $0x80, v4, vm0, $0xb8;
	[tilespmem:$0x14200] =	vst v63  }
0xa3: {  	s8 =	simm.s32 $0xA00;
	v3 =	vperm.xlane v3, v2  }
0xa4: {  	[tilespmem:s8], [sflag:$0x1] =	stream.indirect_vreg.gather [hbm4b:s5+s2], $0x80, v4, vm0, $0xb8;
	[tilespmem:$0x14200] =	vst v63  }
0xa5: {  	v3 =	vadd.s32 v1, v3;
	s8 =	simm.s32 $0x1200  }
0xa6: {  	[tilespmem:s8], [sflag:$0x1] =	stream.indirect_vreg.gather [hbm4b:s6+s2], $0x80, v4, vm0, $0xb8;
	[tilespmem:$0x14200] =	vst v63  }
0xa7: {  	s8 =	simm.s32 $0x1A00  }
0xa8: {  	[tilespmem:s8], [sflag:$0x1] =	stream.indirect_vreg.gather [hbm4b:s7+s2], $0x80, v4, vm0, $0xb8;
	[tilespmem:$0x14200] =	vst v63  }
0xa9: {  	s8 =	simm.s32 $0x2200  }
0xaa: {  	[tilespmem:s8], [sflag:$0x1] =	stream.indirect_vreg.gather [hbm4b:s3+s2], $0x80, v3, vm0, $0xb8;
	[tilespmem:$0x14200] =	vst v63  }
0xab: {  	s8 =	simm.s32 $0x2A00  }
0xac: {  	[tilespmem:s8], [sflag:$0x1] =	stream.indirect_vreg.gather [hbm4b:s5+s2], $0x80, v3, vm0, $0xb8;
	[tilespmem:$0x14200] =	vst v63  }
0xad: {  	s8 =	simm.s32 $0x3200  }
0xae: {  	[tilespmem:s8], [sflag:$0x1] =	stream.indirect_vreg.gather [hbm4b:s6+s2], $0x80, v3, vm0, $0xb8;
	[tilespmem:$0x14200] =	vst v63  }
0xaf: {  	s8 =	simm.s32 $0x3A00  }
0xb0: {  	[tilespmem:s8], [sflag:$0x1] =	stream.indirect_vreg.gather [hbm4b:s7+s2], $0x80, v3, vm0, $0xb8;
	[tilespmem:$0x14200] =	vst v63  }
0xb1: {  	v3 =	vld [tilespmem:s0+$0xFFFFFFC8];
	_ =	sdelay $0x4  }
0xb2: {  	v59 =	vshll.u32 v3, $0x3  }
0xb3: {  	v3 =	vand.u32 $0x7, v3;
	v4 =	vand.u32 $0xFFFFFFC0, v59  }
0xb4: {  	v3 =	vor.u32 v3, v4  }
0xb5: {  	v4 =	vperm.xlane v3, v0;
	_ =	sdelay $0x1  }
0xb6: {  	v4 =	vadd.s32 v1, v4;
	_ =	sdelay $0x3  }
0xb7: {  	s8 =	simm.s32 $0x4200  }
0xb8: {  	[tilespmem:s8], [sflag:$0x1] =	stream.indirect_vreg.gather [hbm4b:s3+s2], $0x80, v4, vm0, $0xb8;
	[tilespmem:$0x14200] =	vst v63  }
0xb9: {  	v3 =	vperm.xlane v3, v2;
	s8 =	simm.s32 $0x4A00  }
0xba: {  	[tilespmem:s8], [sflag:$0x1] =	stream.indirect_vreg.gather [hbm4b:s5+s2], $0x80, v4, vm0, $0xb8;
	[tilespmem:$0x14200] =	vst v63  }
0xbb: {  	v3 =	vadd.s32 v1, v3;
	s8 =	simm.s32 $0x5200  }
0xbc: {  	[tilespmem:s8], [sflag:$0x1] =	stream.indirect_vreg.gather [hbm4b:s6+s2], $0x80, v4, vm0, $0xb8;
	[tilespmem:$0x14200] =	vst v63  }
0xbd: {  	s8 =	simm.s32 $0x5A00  }
0xbe: {  	[tilespmem:s8], [sflag:$0x1] =	stream.indirect_vreg.gather [hbm4b:s7+s2], $0x80, v4, vm0, $0xb8;
	[tilespmem:$0x14200] =	vst v63  }
0xbf: {  	s8 =	simm.s32 $0x6200  }
0xc0: {  	[tilespmem:s8], [sflag:$0x1] =	stream.indirect_vreg.gather [hbm4b:s3+s2], $0x80, v3, vm0, $0xb8;
	[tilespmem:$0x14200] =	vst v63  }
0xc1: {  	s8 =	simm.s32 $0x6A00  }
0xc2: {  	[tilespmem:s8], [sflag:$0x1] =	stream.indirect_vreg.gather [hbm4b:s5+s2], $0x80, v3, vm0, $0xb8;
	[tilespmem:$0x14200] =	vst v63  }
0xc3: {  	s8 =	simm.s32 $0x7200  }
0xc4: {  	[tilespmem:s8], [sflag:$0x1] =	stream.indirect_vreg.gather [hbm4b:s6+s2], $0x80, v3, vm0, $0xb8;
	[tilespmem:$0x14200] =	vst v63  }
0xc5: {  	s8 =	simm.s32 $0x7A00  }
0xc6: {  	[tilespmem:s8], [sflag:$0x1] =	stream.indirect_vreg.gather [hbm4b:s7+s2], $0x80, v3, vm0, $0xb8;
	[tilespmem:$0x14200] =	vst v63  }
0xc7: {  	v3 =	vld.msk [tilespmem:s0+$0xFFFFFFD8], $0xff;
	_ =	sdelay $0x4  }
0xc8: {  	v60 =	vshll.u32 v3, $0x3  }
0xc9: {  	v3 =	vand.u32 $0x7, v3;
	v4 =	vand.u32 $0xFFFFFFC0, v60  }
0xca: {  	v3 =	vor.u32 v3, v4  }
0xcb: {  	v3 =	vperm.xlane v3, v0;
	_ =	sdelay $0x1  }
0xcc: {  	v3 =	vadd.s32 v1, v3;
	_ =	sdelay $0x3  }
0xcd: {  	s8 =	simm.s32 $0x8200  }
0xce: {  	[tilespmem:s8], [sflag:$0x1] =	stream.indirect_vreg.gather [hbm4b:s3+s2], $0x80, v3, vm0, $0xb8;
	[tilespmem:$0x14200] =	vst v63  }
0xcf: {  	s8 =	simm.s32 $0x8A00  }
0xd0: {  	[tilespmem:s8], [sflag:$0x1] =	stream.indirect_vreg.gather [hbm4b:s5+s2], $0x80, v3, vm0, $0xb8;
	[tilespmem:$0x14200] =	vst v63  }
0xd1: {  	s8 =	simm.s32 $0x9200  }
0xd2: {  	[tilespmem:s8], [sflag:$0x1] =	stream.indirect_vreg.gather [hbm4b:s6+s2], $0x80, v3, vm0, $0xb8;
	[tilespmem:$0x14200] =	vst v63  }
0xd3: {  	s8 =	simm.s32 $0x9A00  }
0xd4: {  	[tilespmem:s8], [sflag:$0x1] =	stream.indirect_vreg.gather [hbm4b:s7+s2], $0x80, v3, vm0, $0xb8;
	[tilespmem:$0x14200] =	vst v63  }
0xd5: {  	_ =	swait.ge [sflag:s31], $0xA000  }
0xd6: {  	[sflag:s31] =	ssyncset.done $0x0  }
0xd7: {  	[sflag:s31] =	ssyncadd.s32 $0xFFFF6000  }
0xd8: {  	v3 =	vld [tilespmem:s0+$0xFFFFFFE0];
	_ =	sdelay $0x4  }
0xd9: {  	v61 =	vshll.u32 v3, $0x3  }
0xda: {  	v3 =	vand.u32 $0x7, v3;
	v4 =	vand.u32 $0xFFFFFFC0, v61  }
0xdb: {  	v3 =	vor.u32 v3, v4  }
0xdc: {  	v4 =	vperm.xlane v3, v0;
	_ =	sdelay $0x1  }
0xdd: {  	v4 =	vadd.s32 v1, v4;
	_ =	sdelay $0x4  }
0xde: {  	[tilespmem:s1], [sflag:$0x2] =	stream.indirect_vreg.gather [hbm4b:s3+s2], $0x80, v4, vm0, $0xb8;
	[tilespmem:$0x14200] =	vst v63  }
0xdf: {  	s8 =	simm.s32 $0xAA00;
	v3 =	vperm.xlane v3, v2  }
0xe0: {  	[tilespmem:s8], [sflag:$0x2] =	stream.indirect_vreg.gather [hbm4b:s5+s2], $0x80, v4, vm0, $0xb8;
	[tilespmem:$0x14200] =	vst v63  }
0xe1: {  	v3 =	vadd.s32 v1, v3;
	s8 =	simm.s32 $0xB200  }
0xe2: {  	[tilespmem:s8], [sflag:$0x2] =	stream.indirect_vreg.gather [hbm4b:s6+s2], $0x80, v4, vm0, $0xb8;
	[tilespmem:$0x14200] =	vst v63  }
0xe3: {  	s8 =	simm.s32 $0xBA00  }
0xe4: {  	[tilespmem:s8], [sflag:$0x2] =	stream.indirect_vreg.gather [hbm4b:s7+s2], $0x80, v4, vm0, $0xb8;
	[tilespmem:$0x14200] =	vst v63  }
0xe5: {  	_ = 	snop  }
0xe6: {  	[tilespmem:s10], [sflag:$0x2] =	stream.indirect_vreg.gather [hbm4b:s3+s2], $0x80, v3, vm0, $0xb8;
	[tilespmem:$0x14200] =	vst v63  }
0xe7: {  	_ = 	snop  }
0xe8: {  	[tilespmem:s12], [sflag:$0x2] =	stream.indirect_vreg.gather [hbm4b:s5+s2], $0x80, v3, vm0, $0xb8;
	[tilespmem:$0x14200] =	vst v63  }
0xe9: {  	_ = 	snop  }
0xea: {  	[tilespmem:s13], [sflag:$0x2] =	stream.indirect_vreg.gather [hbm4b:s6+s2], $0x80, v3, vm0, $0xb8;
	[tilespmem:$0x14200] =	vst v63  }
0xeb: {  	_ = 	snop  }
0xec: {  	[tilespmem:s14], [sflag:$0x2] =	stream.indirect_vreg.gather [hbm4b:s7+s2], $0x80, v3, vm0, $0xb8;
	[tilespmem:$0x14200] =	vst v63  }
0xed: {  	v3 =	vld [tilespmem:s0+$0xFFFFFFF0];
	_ =	sdelay $0x4  }
0xee: {  	v62 =	vshll.u32 v3, $0x3  }
0xef: {  	v3 =	vand.u32 $0x7, v3;
	v4 =	vand.u32 $0xFFFFFFC0, v62  }
0xf0: {  	v3 =	vor.u32 v3, v4  }
0xf1: {  	v4 =	vperm.xlane v3, v0;
	_ =	sdelay $0x1  }
0xf2: {  	v4 =	vadd.s32 v1, v4;
	_ =	sdelay $0x4  }
0xf3: {  	[tilespmem:s15], [sflag:$0x2] =	stream.indirect_vreg.gather [hbm4b:s3+s2], $0x80, v4, vm0, $0xb8;
	[tilespmem:$0x14200] =	vst v63  }
0xf4: {  	v3 =	vperm.xlane v3, v2  }
0xf5: {  	[tilespmem:s16], [sflag:$0x2] =	stream.indirect_vreg.gather [hbm4b:s5+s2], $0x80, v4, vm0, $0xb8;
	[tilespmem:$0x14200] =	vst v63  }
0xf6: {  	v3 =	vadd.s32 v1, v3  }
0xf7: {  	[tilespmem:s17], [sflag:$0x2] =	stream.indirect_vreg.gather [hbm4b:s6+s2], $0x80, v4, vm0, $0xb8;
	[tilespmem:$0x14200] =	vst v63  }
0xf8: {  	_ = 	snop  }
0xf9: {  	[tilespmem:s18], [sflag:$0x2] =	stream.indirect_vreg.gather [hbm4b:s7+s2], $0x80, v4, vm0, $0xb8;
	[tilespmem:$0x14200] =	vst v63  }
0xfa: {  	_ = 	snop  }
0xfb: {  	[tilespmem:s19], [sflag:$0x2] =	stream.indirect_vreg.gather [hbm4b:s3+s2], $0x80, v3, vm0, $0xb8;
	[tilespmem:$0x14200] =	vst v63  }
0xfc: {  	_ = 	snop  }
0xfd: {  	[tilespmem:s20], [sflag:$0x2] =	stream.indirect_vreg.gather [hbm4b:s5+s2], $0x80, v3, vm0, $0xb8;
	[tilespmem:$0x14200] =	vst v63  }
0xfe: {  	_ = 	snop  }
0xff: {  	[tilespmem:s21], [sflag:$0x2] =	stream.indirect_vreg.gather [hbm4b:s6+s2], $0x80, v3, vm0, $0xb8;
	[tilespmem:$0x14200] =	vst v63  }
0x100: {  	_ = 	snop  }
0x101: {  	[tilespmem:s22], [sflag:$0x2] =	stream.indirect_vreg.gather [hbm4b:s7+s2], $0x80, v3, vm0, $0xb8;
	[tilespmem:$0x14200] =	vst v63  }
0x102: {  	v3 =	vld.msk [tilespmem:s0+$0x0], $0xff;
	_ =	sdelay $0x4  }
0x103: {  	v63 =	vshll.u32 v3, $0x3  }
0x104: {  	v3 =	vand.u32 $0x7, v3;
	v4 =	vand.u32 $0xFFFFFFC0, v63  }
0x105: {  	v3 =	vor.u32 v3, v4  }
0x106: {  	v3 =	vperm.xlane v3, v0;
	_ =	sdelay $0x1  }
0x107: {  	v3 =	vadd.s32 v1, v3;
	_ =	sdelay $0x4  }
0x108: {  	[tilespmem:s23], [sflag:$0x2] =	stream.indirect_vreg.gather [hbm4b:s3+s2], $0x80, v3, vm0, $0xb8;
	[tilespmem:$0x14200] =	vst v63  }
0x109: {  	_ = 	snop  }
0x10a: {  	[tilespmem:s24], [sflag:$0x2] =	stream.indirect_vreg.gather [hbm4b:s5+s2], $0x80, v3, vm0, $0xb8;
	[tilespmem:$0x14200] =	vst v63  }
.Ltmp3:
0x10b: {  	_ = 	snop;
	(pc) =	sbr.rel .LBB2_2-.Ltmp3, $4  }
0x10c: {  	_ = 	snop  }
0x10d: {  	[tilespmem:s25], [sflag:$0x2] =	stream.indirect_vreg.gather [hbm4b:s6+s2], $0x80, v3, vm0, $0xb8;
	[tilespmem:$0x14200] =	vst v63  }
0x10e: {  	s4 =	sadd.s32 $0x2800, s4;
	s0 =	sadd.s32 $0x50, s0  }
0x10f: {  	[tilespmem:s26], [sflag:$0x2] =	stream.indirect_vreg.gather [hbm4b:s7+s2], $0x80, v3, vm0, $0xb8;
	[tilespmem:$0x14200] =	vst v63  }
.LBB2_5:
0x110: {  	_ =	sfence.sel $0x180000  }
0x111: {  	[bflag:$0x0] =	sbarrier.arrive $0xFFFF  }
0x112: {  	_ =	strace $0x9000004A  }
0x113: {  	s0 =	stileid.u32;
	[bflag:$0x2] =	sbarrier.arrive $0xFFFF  }
0x114: {  	p0 =	sne.s32 s0, $0x0;
	s0 =	rddreg [dreg:$0x1]  }
0x115: {  	s0 =	sadd.s32 @!p0 $0x100000, s0  }
0x116: {  	[sflag:s0] =	ssyncadd.tile.s32 @!p0 $0x1;
	_ =	shalt  }
.Lfunc_end2:
_tile_overlayer_lowered:
.L_overlay_start_2:
0x117: {  	(tag) =	ssettag $0x2  }
0x118: {  	s0 =	rddreg [dreg:$0x0];
	s2 =	stileid.u32  }
0x119: {  	s1 =	rddreg [dreg:$0x1];
	p0 =	sne.s32 s2, $0x0  }
0x11a: {  	s3 =	rddreg [dreg:$0x2];
	[bflag:$0x3] =	sbarrier.arrive $0xFFFF;
	s2 =	simm.s32 @!p0 $0x1C05  }
0x11b: {  	[timem:s3], [sflag:s2] =	dma.local @!p0 [hbm:s0], s1  }
0x11c: {  	s0 =	simm.s32 @!p0 $0x5  }
0x11d: {  	_ =	swait.ge @!p0 [sflag:s0], s1  }
0x11e: {  	s1 =	ssub.s32 @!p0 $0x0, s1;
	[sflag:s0] =	ssyncset.done @!p0 $0x0  }
0x11f: {  	[sflag:s0] =	ssyncadd.s32 @!p0 s1  }
0x120: {  	[bflag:$0x3] =	sbarrier.arrive $0xFFFF  }
0x121: {  	_ =	shalt  }

// kernel: kernel.13.cloned.1.call-start
scs
__scs_entry_jumppad:
0x0: {  	(pc) =	sbr.rel $0x88, $3  }
0x1: {  	(tag) =	ssettag $0x0;
	lr =	simm.s32 $0x1  }
0x2: {  	[smem:$0x3F9E] =	sst lr;
	_ =	strace $0xD0000000  }
0x3: {  	_ = 	snop  }
0x4: {  	_ = 	snop  }
0x5: {  	_ = 	snop  }
0x6: {  	_ = 	snop  }
0x7: {  	_ = 	snop  }
__scs_overlays_trampoline_lowered:
0x8: {  	[smem:$0x3FAD] =	sst s0  }
0x9: {  	[smem:$0x3FAE] =	sst s1  }
0xa: {  	[smem:$0x3FAF] =	sst s2  }
0xb: {  	[smem:$0x3FB0] =	sst s3  }
0xc: {  	[smem:$0x3FB1] =	sst s4  }
0xd: {  	[smem:$0x3FB2] =	sst s5  }
0xe: {  	[smem:$0x3FB3] =	sst s6  }
0xf: {  	[smem:$0x3FB4] =	sst s7  }
0x10: {  	[smem:$0x3FB5] =	sst s8  }
0x11: {  	[smem:$0x3FB6] =	sst s9;
	s0 =	simm.s32 @!p0 $0x0  }
0x12: {  	s1 =	sld [smem:$0x3F9C];
	s0 =	simm.s32 @p0 $0x1  }
0x13: {  	[smem:$0x3FB7] =	sst s0;
	s0 =	simm.s32 @!p1 $0x0  }
0x14: {  	s2 =	sld [smem:$0x3F9B];
	s0 =	simm.s32 @p1 $0x1  }
0x15: {  	[smem:$0x3FB8] =	sst s0;
	s0 =	simm.s32 @!p2 $0x0  }
0x16: {  	s3 =	sld [smem:$0x3FDB];
	s0 =	simm.s32 @p2 $0x1  }
0x17: {  	s4 =	simm.s32 $0x1BF5;
	[smem:$0x3FBA] =	sst s0  }
0x18: {  	s0 =	sld [smem:$0x3F9D];
	_ =	swait.ge [sflag:s4], $0x0  }
0x19: {  	s7 =	sld [smem:$0x3F9E]  }
0x1a: {  	s8 =	sadd.s32 $0xFFFFE003, lr  }
0x1b: {  	s9 =	sadd.s32 $0xFFFFFEF7, lr;
	s5 =	simm.s32 $0xFFFFFFFF;
	p2 =	slt.u32 s8, $0xFFFFF086  }
0x1c: {  	p1 =	slt.u32 s9, $0xF7A;
	s5 =	simm.s32 @!p2 $0x0  }
0x1d: {  	s5 =	simm.s32 @p1 $0x1;
	p0 =	seq.s32 s7, s2  }
0x1e: {  	s7 =	smul.u32 @!p0 $0xF7A, s2;
	p2 =	seq.s32 @!p0 s5, $0x0  }
0x1f: {  	s9 =	smul.u32 $0xF7A, s1;
	s8 =	simm.s32 @!p0 $0x1BF5;
	p2 =	por !p2, p0  }
0x20: {  	[sflag:s8] =	ssyncset.s32 @!p0 $0xFFFFF086;
	s6 =	sadd.s32 @!p0 s3, s7;
	s7 =	simm.s32 @!p0 $0x108  }
0x21: {  	s3 =	sadd.s32 s3, s9;
	s6 =	sadd.s32 @!p0 $0x88, s6;
	s7 =	simm.s32 @p2 $0x1082  }
0x22: {  	[simem:s7], [sflag:s8] =	dma.local @!p0 [hbm:s6], $0xF7A  }
0x23: {  	s9 =	sor.u32 $0xD0000000, s2;
	s6 =	simm.s32 $0x108;
	_ =	swait.ge @!p0 [sflag:s8], $0x0  }
0x24: {  	s3 =	sadd.s32 $0x88, s3;
	s6 =	simm.s32 @!p1 $0x1082;
	[sflag:s4] =	ssyncset.s32 $0xFFFFF086  }
0x25: {  	[simem:s6], [sflag:s4] =	dma.local [hbm:s3], $0xF7A  }
0x26: {  	[smem:$0x3F9E] =	sst s1;
	(tag) =	ssettag s2;
	_ =	strace s9  }
0x27: {  	s1 =	sld [smem:$0x3FAE]  }
0x28: {  	s2 =	sld [smem:$0x3FAF]  }
0x29: {  	s4 =	sld [smem:$0x3FB1]  }
0x2a: {  	p0 =	seq.s32 s5, $0x0;
	s5 =	sld [smem:$0x3FB2]  }
0x2b: {  	s6 =	sld [smem:$0x3FB3]  }
0x2c: {  	s7 =	sld [smem:$0x3FB4]  }
0x2d: {  	s3 =	simm.s32 $0x108;
	s8 =	sld [smem:$0x3FB5]  }
0x2e: {  	s3 =	simm.s32 @!p0 $0x1082;
	s9 =	sld [smem:$0x3FB6]  }
0x2f: {  	lr =	sadd.s32 s0, s3;
	s0 =	sld [smem:$0x3FAD]  }
0x30: {  	s3 =	sld [smem:$0x3FB0]  }
0x31: {  	[smem:$0x3FB9] =	sst s10  }
0x32: {  	s10 =	sld [smem:$0x3FB7];
	_ =	sdelay $0x3  }
0x33: {  	p0 =	seq.s32 s10, $0x1;
	s10 =	sld [smem:$0x3FB9];
	_ =	sdelay $0x3  }
0x34: {  	[smem:$0x3FB9] =	sst s10  }
0x35: {  	s10 =	sld [smem:$0x3FB8];
	_ =	sdelay $0x3  }
0x36: {  	p1 =	seq.s32 s10, $0x1;
	s10 =	sld [smem:$0x3FB9];
	_ =	sdelay $0x3  }
0x37: {  	[smem:$0x3FB9] =	sst s10  }
0x38: {  	s10 =	sld [smem:$0x3FBA]  }
0x39: {  	_ = 	snop;
	(pc) =	sbr.ind lr, $3  }
0x3a: {  	_ = 	snop  }
0x3b: {  	_ = 	snop  }
0x3c: {  	p2 =	seq.s32 s10, $0x1;
	s10 =	sld [smem:$0x3FB9]  }
0x3d: {  	_ =	shalt  }
0x3e: {  	_ =	shalt  }
0x3f: {  	_ =	shalt  }
0x40: {  	_ =	shalt  }
0x41: {  	_ =	shalt  }
0x42: {  	_ =	shalt  }
0x43: {  	_ =	shalt  }
0x44: {  	_ =	shalt  }
0x45: {  	_ =	shalt  }
0x46: {  	_ =	shalt  }
0x47: {  	_ =	shalt  }
0x48: {  	_ =	shalt  }
0x49: {  	_ =	shalt  }
0x4a: {  	_ =	shalt  }
0x4b: {  	_ =	shalt  }
0x4c: {  	_ =	shalt  }
0x4d: {  	_ =	shalt  }
0x4e: {  	_ =	shalt  }
0x4f: {  	_ =	shalt  }
0x50: {  	_ =	shalt  }
0x51: {  	_ =	shalt  }
0x52: {  	_ =	shalt  }
0x53: {  	_ =	shalt  }
0x54: {  	_ =	shalt  }
0x55: {  	_ =	shalt  }
0x56: {  	_ =	shalt  }
0x57: {  	_ =	shalt  }
0x58: {  	_ =	shalt  }
0x59: {  	_ =	shalt  }
0x5a: {  	_ =	shalt  }
0x5b: {  	_ =	shalt  }
0x5c: {  	_ =	shalt  }
0x5d: {  	_ =	shalt  }
0x5e: {  	_ =	shalt  }
0x5f: {  	_ =	shalt  }
0x60: {  	_ =	shalt  }
0x61: {  	_ =	shalt  }
0x62: {  	_ =	shalt  }
0x63: {  	_ =	shalt  }
0x64: {  	_ =	shalt  }
0x65: {  	_ =	shalt  }
0x66: {  	_ =	shalt  }
0x67: {  	_ =	shalt  }
0x68: {  	_ =	shalt  }
0x69: {  	_ =	shalt  }
0x6a: {  	_ =	shalt  }
0x6b: {  	_ =	shalt  }
0x6c: {  	_ =	shalt  }
0x6d: {  	_ =	shalt  }
0x6e: {  	_ =	shalt  }
0x6f: {  	_ =	shalt  }
0x70: {  	_ =	shalt  }
0x71: {  	_ =	shalt  }
0x72: {  	_ =	shalt  }
0x73: {  	_ =	shalt  }
0x74: {  	_ =	shalt  }
0x75: {  	_ =	shalt  }
0x76: {  	_ =	shalt  }
0x77: {  	_ =	shalt  }
0x78: {  	_ =	shalt  }
0x79: {  	_ =	shalt  }
0x7a: {  	_ =	shalt  }
0x7b: {  	_ =	shalt  }
0x7c: {  	_ =	shalt  }
0x7d: {  	_ =	shalt  }
0x7e: {  	_ =	shalt  }
0x7f: {  	_ =	shalt  }
0x80: {  	_ =	shalt  }
0x81: {  	_ =	shalt  }
0x82: {  	_ =	shalt  }
0x83: {  	_ =	shalt  }
0x84: {  	_ =	shalt  }
0x85: {  	_ =	shalt  }
0x86: {  	_ =	shalt  }
0x87: {  	_ =	shalt  }
.Lfunc_end0:
.L_simem_size_0:
called_computation.1_lowered:
.L_overlay_start_0:
0x88: {  	s2 =	sld [smem:$0x3FD9]  }
0x89: {  	s3 =	sld [smem:$0x3FFE];
	_ =	sdelay $0x1  }
0x8a: {  	s1 =	srdreg.scid  }
0x8b: {  	s0 =	sand.u32 $0x1, s1  }
0x8c: {  	s16 =	sshll.u32 s0, $0xA;
	s2 =	sadd.s32 s3, s2  }
0x8d: {  	s2 =	sadd.s32 s2, s16  }
0x8e: {  	[smem:$0x3FC5] =	sst s2  }
0x8f: {  	_ = 	snop  }
0x90: {  	(tm) =	ssettm $0x1  }
0x91: {  	s17 =	sld [smem:$0x3FFB];
	_ =	sdelay $0x3  }
0x92: {  	_ =	strace s17  }
0x93: {  	s2 =	sld [smem:$0x3FFC];
	_ =	sdelay $0x3  }
0x94: {  	_ =	strace s2  }
0x95: {  	s2 =	sld [smem:$0x3FFD];
	_ =	sdelay $0x3  }
0x96: {  	_ =	strace s2  }
0x97: {  	_ =	strace $0x8FFFFFFF  }
0x98: {  	s18 =	sld [smem:$0x3FDB];
	_ =	sdelay $0x1  }
0x99: {  	s19 =	simm.s32 $_scs_section_size  }
0x9a: {  	s4 =	simm.s32 $_size__tile_overlayer_lowered;
	s5 =	simm.s32 $_tile_overlayer_lowered  }
0x9b: {  	s22 =	simm.s32 $0x1BFF;
	s21 =	sshll.u32 s5, $0x1;
	s2 =	sadd.s32 s19, s18  }
0x9c: {  	s6 =	simm.s32 $0x0;
	s20 =	sshll.u32 s4, $0x1;
	s4 =	sadd.s32 s21, s2  }
0x9d: {  	[timem:s6], [sflag:s22] =	dma.local [hbm:s4], s20  }
0x9e: {  	_ =	swait.ge [sflag:s22], s20  }
0x9f: {  	s3 =	ssub.s32 $0x0, s20;
	[sflag:s22] =	ssyncset.done $0x0  }
0xa0: {  	[sflag:s22] =	ssyncadd.s32 s3;
	_ =	sdelay $0x1  }
0xa1: {  	s23 =	simm.s32 $0x1B8B  }
0xa2: {  	_ =	swait.ge [sflag:s23], $0x1  }
0xa3: {  	[sflag:s23] =	ssyncset.done $0x0  }
0xa4: {  	s25 =	simm.s32 $0x1B8E;
	s24 =	sld [smem:$0x3FFE];
	[sflag:s23] =	ssyncadd.s32 $0xFFFFFFFF  }
0xa5: {  	s26 =	simm.s32 $execute0_lowered;
	[smem:$0x3FD2] =	sst s25  }
0xa6: {  	s4 =	sshll.u32 s26, $0x1;
	_ =	strace $0x80000046;
	[dreg:$0x1] =	wrdreg $0xFFFFFFFF  }
0xa7: {  	s28 =	simm.s32 $_size_execute0_lowered;
	s2 =	sadd.s32 s2, s4;
	[dreg:$0x0] =	wrdreg $0x0  }
0xa8: {  	s4 =	sshll.u32 s28, $0x1;
	[dreg:$0x2] =	wrdreg s2  }
0xa9: {  	[dreg:$0x3] =	wrdreg s4  }
0xaa: {  	[dreg:$0x4] =	wrdreg $0xC0  }
0xab: {  	_ =	task [dreg:s6], $0x5FFFF  }
0xac: {  	[dreg:$0x1] =	wrdreg $0xFFFFFFFF  }
0xad: {  	[dreg:$0x0] =	wrdreg $0x60  }
0xae: {  	[dreg:$0x2] =	wrdreg s24  }
0xaf: {  	[dreg:$0x3] =	wrdreg $0xA  }
0xb0: {  	_ =	task.clear_ibuf [dreg:s6], $0x4FFFF;
	_ =	strace $0x90000046  }
0xb1: {  	s29 =	simm.s32 $0xA;
	_ =	strace $0x80000048  }
0xb2: {  	_ =	swait.ge [sflag:s29], $0x1  }
0xb3: {  	[sflag:s29] =	ssyncadd.s32 $0xFFFFFFFF  }
0xb4: {  	_ =	strace $0x90000048  }
0xb5: {  	_ =	sfence  }
0xb6: {  	s30 =	sld [smem:$0x0];
	_ =	sdelay $0x2  }
0xb7: {  	s31 =	sshll.u32 s1, $0xD;
	s1 =	sshrl.u32 s1, $0x2  }
0xb8: {  	s3 =	sand.u32 $0x4000, s31;
	s1 =	sadd.s32 s1, s30  }
0xb9: {  	s0 =	sor.u32 s3, s0;
	s1 =	sshll.u32 s1, $0x11  }
0xba: {  	s0 =	sor.u32 s1, s0  }
0xbb: {  	s0 =	sadd.s32 $0x8F2B, s0  }
0xbc: {  	[sflag:s0] =	ssyncadd.remote.s32 $0x1  }
0xbd: {  	_ =	sfence.sel $0xFFFF  }
0xbe: {  	[dreg:$0x0] =	wrdreg $0xFFFFFFFF;
	(pc) =	sbr.abs _section_cstart, $3  }
0xbf: {  	[dreg:$0x1] =	wrdreg $0xFFFFFFFF  }
0xc0: {  	_ =	task.clear_ibuf [dreg:s6], $0x2FFFF;
	_ =	strace $0x9FFFFFFF  }
0xc1: {  	(tm) =	ssettm $0x7FFFFFFF  }
tec
execute0_lowered:
.L_overlay_start_1:
0x0: {  	(tag) =	ssettag $0x1  }
0x1: {  	s0 =	srdreg.scid  }
0x2: {  	s3 =	stileid.u32;
	s4 =	rddreg [dreg:$0x0];
	s2 =	simm.s32 $0x0  }
0x3: {  	s11 =	simm.s32 $0x200;
	s10 =	simm.s32 $0xC200;
	s12 =	simm.s32 $0xCA00  }
0x4: {  	s13 =	simm.s32 $0xD200;
	s14 =	simm.s32 $0xDA00;
	s15 =	simm.s32 $0xE200  }
0x5: {  	s16 =	simm.s32 $0xEA00;
	s17 =	simm.s32 $0xF200;
	s18 =	simm.s32 $0xFA00  }
0x6: {  	s19 =	simm.s32 $0x10200;
	s20 =	simm.s32 $0x10A00;
	s21 =	simm.s32 $0x11200  }
0x7: {  	s22 =	simm.s32 $0x11A00;
	s23 =	simm.s32 $0x12200;
	s24 =	simm.s32 $0x12A00  }
0x8: {  	s28 =	simm.s32 $0x1;
	s29 =	simm.s32 $0x2;
	s30 =	simm.s32 $0x3  }
0x9: {  	s31 =	simm.s32 $0x4;
	s0 =	sand.u32 $0x1, s0;
	s1 =	sshll.u32 s3, $0x1  }
0xa: {  	[smem:$0x7FF] =	sst s2;
	s5 =	smul.u32 $0x1E000, s3;
	s3 =	sadd.s32 $0x2200, s4  }
0xb: {  	s1 =	sor.u32 s0, s1;
	s6 =	ssub.s32 $0x2, s0;
	s0 =	smul.u32 $0xF000, s0  }
0xc: {  	s7 =	sadd.s32 $0x2500, s4;
	_ =	strace $0x80000047;
	s1 =	smul.u32 $0x1E0, s1  }
0xd: {  	s8 =	sadd.s32 s5, s4;
	s25 =	sshrl.u32 s6, $0x1;
	s5 =	sadd.s32 $0x2300, s4  }
.Ltmp0:
0xe: {  	s9 =	ssub.s32 s6, s25;
	s6 =	sadd.s32 $0x2400, s4;
	(pc) =	sbr.rel .LBB2_1-.Ltmp0, $4  }
0xf: {  	s0 =	sadd.s32 s0, s8;
	s25 =	simm.s32 $0x13200;
	s1 =	sshrl.u32 s1, $0x3  }
0x10: {  	v2 =	vlaneseq.u32;
	s26 =	smax.u32 s9, $0x1;
	s9 =	sadd.s32 $0x24200, s0;
	s1 =	sadd.s32 s1, s4  }
0x11: {  	vm0 =	vmmov $0xffff;
	v1 =	vshrl.u32 v2, $0x3;
	[dreg:$0x3] =	wrdreg s26;
	s26 =	simm.s32 $0x13A00;
	s1 =	sadd.s32 $0x23200, s1  }
0x12: {  	v0 =	vand.u32 $0x7, v2;
	v2 =	vor.u32 $0x8, v2;
	v1 =	vmul.u32 $0x8, v1;
	s4 =	simm.s32 $0x0;
	[dreg:$0x2] =	wrdreg s1;
	s1 =	simm.s32 $0xA200  }
.LBB2_4:
0x13: {  	_ =	swait.ge [sflag:s31], $0xA000  }
0x14: {  	s4 =	rddreg [dreg:$0x4]  }
0x15: {  	s0 =	rddreg [dreg:$0x3];
	s4 =	sadd.s32 $0x1, s4  }
0x16: {  	p0 =	sne.s32 s4, s0  }
.Ltmp1:
0x17: {  	_ = 	snop;
	(pc) =	sbr.rel @!p0 .LBB2_5-.Ltmp1, $3  }
0x18: {  	_ =	sdelay $0x1  }
0x19: {  	[sflag:s31] =	ssyncset.done $0x0  }
0x1a: {  	[sflag:s31] =	ssyncadd.s32 $0xFFFF6000  }
.LBB2_1:
0x1b: {  	[dreg:$0x4] =	wrdreg s4  }
0x1c: {  	s0 =	rddreg [dreg:$0x2];
	s8 =	simm.s32 $0x5  }
0x1d: {  	[tilespmem:s2], [sflag:$0x5] =	stream.linear.gather [hbm4b:s0+s2], $0x1E0, $0x38;
	[tilespmem:$0x14200] =	vst v63  }
0x1e: {  	_ =	swait.ge [sflag:s8], $0x1E0  }
0x1f: {  	[sflag:s8] =	ssyncset.done $0x0  }
0x20: {  	[sflag:s8] =	ssyncadd.s32 $0xFFFFFE20  }
0x21: {  	v3 =	vld [tilespmem:$0x0];
	_ =	sdelay $0x4  }
0x22: {  	v4 =	vshll.u32 v3, $0x3  }
0x23: {  	v3 =	vand.u32 $0x7, v3;
	v4 =	vand.u32 $0xFFFFFFC0, v4  }
0x24: {  	v3 =	vor.u32 v3, v4  }
0x25: {  	v4 =	vperm.xlane v3, v0;
	_ =	sdelay $0x1  }
0x26: {  	v4 =	vadd.s32 v1, v4;
	_ =	sdelay $0x4  }
0x27: {  	[tilespmem:s11], [sflag:$0x1] =	stream.indirect_vreg.gather [hbm4b:s3+s2], $0x80, v4, vm0, $0xb8;
	[tilespmem:$0x14200] =	vst v63  }
0x28: {  	s4 =	simm.s32 $0xA00;
	v3 =	vperm.xlane v3, v2  }
0x29: {  	[tilespmem:s4], [sflag:$0x1] =	stream.indirect_vreg.gather [hbm4b:s5+s2], $0x80, v4, vm0, $0xb8;
	[tilespmem:$0x14200] =	vst v63  }
0x2a: {  	s8 =	simm.s32 $0x1200;
	v3 =	vadd.s32 v1, v3  }
0x2b: {  	[tilespmem:s8], [sflag:$0x1] =	stream.indirect_vreg.gather [hbm4b:s6+s2], $0x80, v4, vm0, $0xb8;
	[tilespmem:$0x14200] =	vst v63  }
0x2c: {  	s4 =	simm.s32 $0x1A00  }
0x2d: {  	[tilespmem:s4], [sflag:$0x1] =	stream.indirect_vreg.gather [hbm4b:s7+s2], $0x80, v4, vm0, $0xb8;
	[tilespmem:$0x14200] =	vst v63  }
0x2e: {  	s8 =	simm.s32 $0x2200  }
0x2f: {  	[tilespmem:s8], [sflag:$0x1] =	stream.indirect_vreg.gather [hbm4b:s3+s2], $0x80, v3, vm0, $0xb8;
	[tilespmem:$0x14200] =	vst v63  }
0x30: {  	s4 =	simm.s32 $0x2A00  }
0x31: {  	[tilespmem:s4], [sflag:$0x1] =	stream.indirect_vreg.gather [hbm4b:s5+s2], $0x80, v3, vm0, $0xb8;
	[tilespmem:$0x14200] =	vst v63  }
0x32: {  	s8 =	simm.s32 $0x3200  }
0x33: {  	[tilespmem:s8], [sflag:$0x1] =	stream.indirect_vreg.gather [hbm4b:s6+s2], $0x80, v3, vm0, $0xb8;
	[tilespmem:$0x14200] =	vst v63  }
0x34: {  	s4 =	simm.s32 $0x3A00  }
0x35: {  	[tilespmem:s4], [sflag:$0x1] =	stream.indirect_vreg.gather [hbm4b:s7+s2], $0x80, v3, vm0, $0xb8;
	[tilespmem:$0x14200] =	vst v63  }
0x36: {  	v3 =	vld [tilespmem:$0x10];
	_ =	sdelay $0x4  }
0x37: {  	v59 =	vshll.u32 v3, $0x3  }
0x38: {  	v3 =	vand.u32 $0x7, v3;
	v4 =	vand.u32 $0xFFFFFFC0, v59  }
0x39: {  	v3 =	vor.u32 v3, v4  }
0x3a: {  	v4 =	vperm.xlane v3, v0;
	_ =	sdelay $0x1  }
0x3b: {  	v4 =	vadd.s32 v1, v4;
	_ =	sdelay $0x3  }
0x3c: {  	s8 =	simm.s32 $0x4200  }
0x3d: {  	[tilespmem:s8], [sflag:$0x1] =	stream.indirect_vreg.gather [hbm4b:s3+s2], $0x80, v4, vm0, $0xb8;
	[tilespmem:$0x14200] =	vst v63  }
0x3e: {  	s4 =	simm.s32 $0x4A00;
	v3 =	vperm.xlane v3, v2  }
0x3f: {  	[tilespmem:s4], [sflag:$0x1] =	stream.indirect_vreg.gather [hbm4b:s5+s2], $0x80, v4, vm0, $0xb8;
	[tilespmem:$0x14200] =	vst v63  }
0x40: {  	v3 =	vadd.s32 v1, v3;
	s8 =	simm.s32 $0x5200  }
0x41: {  	[tilespmem:s8], [sflag:$0x1] =	stream.indirect_vreg.gather [hbm4b:s6+s2], $0x80, v4, vm0, $0xb8;
	[tilespmem:$0x14200] =	vst v63  }
0x42: {  	s4 =	simm.s32 $0x5A00  }
0x43: {  	[tilespmem:s4], [sflag:$0x1] =	stream.indirect_vreg.gather [hbm4b:s7+s2], $0x80, v4, vm0, $0xb8;
	[tilespmem:$0x14200] =	vst v63  }
0x44: {  	s8 =	simm.s32 $0x6200  }
0x45: {  	[tilespmem:s8], [sflag:$0x1] =	stream.indirect_vreg.gather [hbm4b:s3+s2], $0x80, v3, vm0, $0xb8;
	[tilespmem:$0x14200] =	vst v63  }
0x46: {  	s4 =	simm.s32 $0x6A00  }
0x47: {  	[tilespmem:s4], [sflag:$0x1] =	stream.indirect_vreg.gather [hbm4b:s5+s2], $0x80, v3, vm0, $0xb8;
	[tilespmem:$0x14200] =	vst v63  }
0x48: {  	s8 =	simm.s32 $0x7200  }
0x49: {  	[tilespmem:s8], [sflag:$0x1] =	stream.indirect_vreg.gather [hbm4b:s6+s2], $0x80, v3, vm0, $0xb8;
	[tilespmem:$0x14200] =	vst v63  }
0x4a: {  	s4 =	simm.s32 $0x7A00  }
0x4b: {  	[tilespmem:s4], [sflag:$0x1] =	stream.indirect_vreg.gather [hbm4b:s7+s2], $0x80, v3, vm0, $0xb8;
	[tilespmem:$0x14200] =	vst v63  }
0x4c: {  	v3 =	vld.msk [tilespmem:$0x20], $0xff;
	_ =	sdelay $0x4  }
0x4d: {  	v60 =	vshll.u32 v3, $0x3  }
0x4e: {  	v3 =	vand.u32 $0x7, v3;
	v4 =	vand.u32 $0xFFFFFFC0, v60  }
0x4f: {  	v3 =	vor.u32 v3, v4  }
0x50: {  	v3 =	vperm.xlane v3, v0;
	_ =	sdelay $0x1  }
0x51: {  	v3 =	vadd.s32 v1, v3;
	_ =	sdelay $0x3  }
0x52: {  	s8 =	simm.s32 $0x8200  }
0x53: {  	[tilespmem:s8], [sflag:$0x1] =	stream.indirect_vreg.gather [hbm4b:s3+s2], $0x80, v3, vm0, $0xb8;
	[tilespmem:$0x14200] =	vst v63  }
0x54: {  	s4 =	simm.s32 $0x8A00  }
0x55: {  	[tilespmem:s4], [sflag:$0x1] =	stream.indirect_vreg.gather [hbm4b:s5+s2], $0x80, v3, vm0, $0xb8;
	[tilespmem:$0x14200] =	vst v63  }
0x56: {  	s8 =	simm.s32 $0x9200  }
0x57: {  	[tilespmem:s8], [sflag:$0x1] =	stream.indirect_vreg.gather [hbm4b:s6+s2], $0x80, v3, vm0, $0xb8;
	[tilespmem:$0x14200] =	vst v63  }
0x58: {  	s4 =	simm.s32 $0x9A00  }
0x59: {  	[tilespmem:s4], [sflag:$0x1] =	stream.indirect_vreg.gather [hbm4b:s7+s2], $0x80, v3, vm0, $0xb8;
	[tilespmem:$0x14200] =	vst v63  }
0x5a: {  	v3 =	vld [tilespmem:$0x28];
	_ =	sdelay $0x4  }
0x5b: {  	v61 =	vshll.u32 v3, $0x3  }
0x5c: {  	v3 =	vand.u32 $0x7, v3;
	v4 =	vand.u32 $0xFFFFFFC0, v61  }
0x5d: {  	v3 =	vor.u32 v3, v4  }
0x5e: {  	v4 =	vperm.xlane v3, v0;
	_ =	sdelay $0x1  }
0x5f: {  	v4 =	vadd.s32 v1, v4;
	_ =	sdelay $0x4  }
0x60: {  	[tilespmem:s1], [sflag:$0x2] =	stream.indirect_vreg.gather [hbm4b:s3+s2], $0x80, v4, vm0, $0xb8;
	[tilespmem:$0x14200] =	vst v63  }
0x61: {  	s8 =	simm.s32 $0xAA00;
	v3 =	vperm.xlane v3, v2  }
0x62: {  	[tilespmem:s8], [sflag:$0x2] =	stream.indirect_vreg.gather [hbm4b:s5+s2], $0x80, v4, vm0, $0xb8;
	[tilespmem:$0x14200] =	vst v63  }
0x63: {  	s4 =	simm.s32 $0xB200;
	v3 =	vadd.s32 v1, v3  }
0x64: {  	[tilespmem:s4], [sflag:$0x2] =	stream.indirect_vreg.gather [hbm4b:s6+s2], $0x80, v4, vm0, $0xb8;
	[tilespmem:$0x14200] =	vst v63  }
0x65: {  	s8 =	simm.s32 $0xBA00  }
0x66: {  	[tilespmem:s8], [sflag:$0x2] =	stream.indirect_vreg.gather [hbm4b:s7+s2], $0x80, v4, vm0, $0xb8;
	[tilespmem:$0x14200] =	vst v63  }
0x67: {  	_ = 	snop  }
0x68: {  	[tilespmem:s10], [sflag:$0x2] =	stream.indirect_vreg.gather [hbm4b:s3+s2], $0x80, v3, vm0, $0xb8;
	[tilespmem:$0x14200] =	vst v63  }
0x69: {  	_ = 	snop  }
0x6a: {  	[tilespmem:s12], [sflag:$0x2] =	stream.indirect_vreg.gather [hbm4b:s5+s2], $0x80, v3, vm0, $0xb8;
	[tilespmem:$0x14200] =	vst v63  }
0x6b: {  	_ = 	snop  }
0x6c: {  	[tilespmem:s13], [sflag:$0x2] =	stream.indirect_vreg.gather [hbm4b:s6+s2], $0x80, v3, vm0, $0xb8;
	[tilespmem:$0x14200] =	vst v63  }
0x6d: {  	_ = 	snop  }
0x6e: {  	[tilespmem:s14], [sflag:$0x2] =	stream.indirect_vreg.gather [hbm4b:s7+s2], $0x80, v3, vm0, $0xb8;
	[tilespmem:$0x14200] =	vst v63  }
0x6f: {  	v3 =	vld [tilespmem:$0x38];
	_ =	sdelay $0x4  }
0x70: {  	v62 =	vshll.u32 v3, $0x3  }
0x71: {  	v3 =	vand.u32 $0x7, v3;
	v4 =	vand.u32 $0xFFFFFFC0, v62  }
0x72: {  	v3 =	vor.u32 v3, v4  }
0x73: {  	v4 =	vperm.xlane v3, v0;
	_ =	sdelay $0x1  }
0x74: {  	v4 =	vadd.s32 v1, v4;
	_ =	sdelay $0x4  }
0x75: {  	[tilespmem:s15], [sflag:$0x2] =	stream.indirect_vreg.gather [hbm4b:s3+s2], $0x80, v4, vm0, $0xb8;
	[tilespmem:$0x14200] =	vst v63  }
0x76: {  	v3 =	vperm.xlane v3, v2  }
0x77: {  	[tilespmem:s16], [sflag:$0x2] =	stream.indirect_vreg.gather [hbm4b:s5+s2], $0x80, v4, vm0, $0xb8;
	[tilespmem:$0x14200] =	vst v63  }
0x78: {  	v3 =	vadd.s32 v1, v3  }
0x79: {  	[tilespmem:s17], [sflag:$0x2] =	stream.indirect_vreg.gather [hbm4b:s6+s2], $0x80, v4, vm0, $0xb8;
	[tilespmem:$0x14200] =	vst v63  }
0x7a: {  	_ = 	snop  }
0x7b: {  	[tilespmem:s18], [sflag:$0x2] =	stream.indirect_vreg.gather [hbm4b:s7+s2], $0x80, v4, vm0, $0xb8;
	[tilespmem:$0x14200] =	vst v63  }
0x7c: {  	_ = 	snop  }
0x7d: {  	[tilespmem:s19], [sflag:$0x2] =	stream.indirect_vreg.gather [hbm4b:s3+s2], $0x80, v3, vm0, $0xb8;
	[tilespmem:$0x14200] =	vst v63  }
0x7e: {  	_ = 	snop  }
0x7f: {  	[tilespmem:s20], [sflag:$0x2] =	stream.indirect_vreg.gather [hbm4b:s5+s2], $0x80, v3, vm0, $0xb8;
	[tilespmem:$0x14200] =	vst v63  }
0x80: {  	_ = 	snop  }
0x81: {  	[tilespmem:s21], [sflag:$0x2] =	stream.indirect_vreg.gather [hbm4b:s6+s2], $0x80, v3, vm0, $0xb8;
	[tilespmem:$0x14200] =	vst v63  }
0x82: {  	_ = 	snop  }
0x83: {  	[tilespmem:s22], [sflag:$0x2] =	stream.indirect_vreg.gather [hbm4b:s7+s2], $0x80, v3, vm0, $0xb8;
	[tilespmem:$0x14200] =	vst v63  }
0x84: {  	v3 =	vld.msk [tilespmem:$0x48], $0xff;
	_ =	sdelay $0x4  }
0x85: {  	v63 =	vshll.u32 v3, $0x3  }
0x86: {  	v3 =	vand.u32 $0x7, v3;
	v4 =	vand.u32 $0xFFFFFFC0, v63  }
0x87: {  	v3 =	vor.u32 v3, v4  }
0x88: {  	v3 =	vperm.xlane v3, v0;
	_ =	sdelay $0x1  }
0x89: {  	v3 =	vadd.s32 v1, v3;
	_ =	sdelay $0x4  }
0x8a: {  	[tilespmem:s23], [sflag:$0x2] =	stream.indirect_vreg.gather [hbm4b:s3+s2], $0x80, v3, vm0, $0xb8;
	[tilespmem:$0x14200] =	vst v63  }
0x8b: {  	_ = 	snop  }
0x8c: {  	[tilespmem:s24], [sflag:$0x2] =	stream.indirect_vreg.gather [hbm4b:s5+s2], $0x80, v3, vm0, $0xb8;
	[tilespmem:$0x14200] =	vst v63  }
0x8d: {  	_ = 	snop  }
0x8e: {  	[tilespmem:s25], [sflag:$0x2] =	stream.indirect_vreg.gather [hbm4b:s6+s2], $0x80, v3, vm0, $0xb8;
	[tilespmem:$0x14200] =	vst v63  }
0x8f: {  	s0 =	simm.s32 $0x98;
	s4 =	simm.s32 $0x0  }
0x90: {  	[tilespmem:s26], [sflag:$0x2] =	stream.indirect_vreg.gather [hbm4b:s7+s2], $0x80, v3, vm0, $0xb8;
	[tilespmem:$0x14200] =	vst v63  }
.LBB2_2:
0x91: {  	_ =	swait.ge [sflag:s28], $0xA000  }
0x92: {  	[sflag:s28] =	ssyncset.done $0x0  }
0x93: {  	s8 =	sadd.s32 s4, s9;
	[sflag:s28] =	ssyncadd.s32 $0xFFFF6000  }
0x94: {  	[hbm4b:s8+s2] =	stream.linear.scatter [tilespmem:s11], [sflag:$0x3], $0xA000, $0x38;
	[tilespmem:$0x14200] =	vst v63  }
0x95: {  	_ =	swait.ge [sflag:s29], $0xA000  }
0x96: {  	p0 =	seq.s32 s4, $0xC800;
	[sflag:s29] =	ssyncset.done $0x0  }
.Ltmp2:
0x97: {  	s8 =	sadd.s32 $0x1400, s8;
	[sflag:s29] =	ssyncadd.s32 $0xFFFF6000;
	(pc) =	sbr.rel @p0 .LBB2_4-.Ltmp2, $4  }
0x98: {  	[hbm4b:s8+s2] =	stream.linear.scatter [tilespmem:s1], [sflag:$0x4], $0xA000, $0x38;
	[tilespmem:$0x14200] =	vst v63  }
0x99: {  	_ =	swait.ge [sflag:s30], $0xA000  }
0x9a: {  	[sflag:s30] =	ssyncset.done $0x0  }
0x9b: {  	[sflag:s30] =	ssyncadd.s32 $0xFFFF6000  }
0x9c: {  	v3 =	vld [tilespmem:s0+$0xFFFFFFB8];
	_ =	sdelay $0x4  }
0x9d: {  	v4 =	vshll.u32 v3, $0x3  }
0x9e: {  	v3 =	vand.u32 $0x7, v3;
	v4 =	vand.u32 $0xFFFFFFC0, v4  }
0x9f: {  	v3 =	vor.u32 v3, v4  }
0xa0: {  	v4 =	vperm.xlane v3, v0;
	_ =	sdelay $0x1  }
0xa1: {  	v4 =	vadd.s32 v1, v4;
	_ =	sdelay $0x4  }
0xa2: {  	[tilespmem:s11], [sflag:$0x1] =	stream.indirect_vreg.gather [hbm4b:s3+s2], $0x80, v4, vm0, $0xb8;
	[tilespmem:$0x14200] =	vst v63  }
0xa3: {  	s8 =	simm.s32 $0xA00;
	v3 =	vperm.xlane v3, v2  }
0xa4: {  	[tilespmem:s8], [sflag:$0x1] =	stream.indirect_vreg.gather [hbm4b:s5+s2], $0x80, v4, vm0, $0xb8;
	[tilespmem:$0x14200] =	vst v63  }
0xa5: {  	v3 =	vadd.s32 v1, v3;
	s8 =	simm.s32 $0x1200  }
0xa6: {  	[tilespmem:s8], [sflag:$0x1] =	stream.indirect_vreg.gather [hbm4b:s6+s2], $0x80, v4, vm0, $0xb8;
	[tilespmem:$0x14200] =	vst v63  }
0xa7: {  	s8 =	simm.s32 $0x1A00  }
0xa8: {  	[tilespmem:s8], [sflag:$0x1] =	stream.indirect_vreg.gather [hbm4b:s7+s2], $0x80, v4, vm0, $0xb8;
	[tilespmem:$0x14200] =	vst v63  }
0xa9: {  	s8 =	simm.s32 $0x2200  }
0xaa: {  	[tilespmem:s8], [sflag:$0x1] =	stream.indirect_vreg.gather [hbm4b:s3+s2], $0x80, v3, vm0, $0xb8;
	[tilespmem:$0x14200] =	vst v63  }
0xab: {  	s8 =	simm.s32 $0x2A00  }
0xac: {  	[tilespmem:s8], [sflag:$0x1] =	stream.indirect_vreg.gather [hbm4b:s5+s2], $0x80, v3, vm0, $0xb8;
	[tilespmem:$0x14200] =	vst v63  }
0xad: {  	s8 =	simm.s32 $0x3200  }
0xae: {  	[tilespmem:s8], [sflag:$0x1] =	stream.indirect_vreg.gather [hbm4b:s6+s2], $0x80, v3, vm0, $0xb8;
	[tilespmem:$0x14200] =	vst v63  }
0xaf: {  	s8 =	simm.s32 $0x3A00  }
0xb0: {  	[tilespmem:s8], [sflag:$0x1] =	stream.indirect_vreg.gather [hbm4b:s7+s2], $0x80, v3, vm0, $0xb8;
	[tilespmem:$0x14200] =	vst v63  }
0xb1: {  	v3 =	vld [tilespmem:s0+$0xFFFFFFC8];
	_ =	sdelay $0x4  }
0xb2: {  	v59 =	vshll.u32 v3, $0x3  }
0xb3: {  	v3 =	vand.u32 $0x7, v3;
	v4 =	vand.u32 $0xFFFFFFC0, v59  }
0xb4: {  	v3 =	vor.u32 v3, v4  }
0xb5: {  	v4 =	vperm.xlane v3, v0;
	_ =	sdelay $0x1  }
0xb6: {  	v4 =	vadd.s32 v1, v4;
	_ =	sdelay $0x3  }
0xb7: {  	s8 =	simm.s32 $0x4200  }
0xb8: {  	[tilespmem:s8], [sflag:$0x1] =	stream.indirect_vreg.gather [hbm4b:s3+s2], $0x80, v4, vm0, $0xb8;
	[tilespmem:$0x14200] =	vst v63  }
0xb9: {  	v3 =	vperm.xlane v3, v2;
	s8 =	simm.s32 $0x4A00  }
0xba: {  	[tilespmem:s8], [sflag:$0x1] =	stream.indirect_vreg.gather [hbm4b:s5+s2], $0x80, v4, vm0, $0xb8;
	[tilespmem:$0x14200] =	vst v63  }
0xbb: {  	v3 =	vadd.s32 v1, v3;
	s8 =	simm.s32 $0x5200  }
0xbc: {  	[tilespmem:s8], [sflag:$0x1] =	stream.indirect_vreg.gather [hbm4b:s6+s2], $0x80, v4, vm0, $0xb8;
	[tilespmem:$0x14200] =	vst v63  }
0xbd: {  	s8 =	simm.s32 $0x5A00  }
0xbe: {  	[tilespmem:s8], [sflag:$0x1] =	stream.indirect_vreg.gather [hbm4b:s7+s2], $0x80, v4, vm0, $0xb8;
	[tilespmem:$0x14200] =	vst v63  }
0xbf: {  	s8 =	simm.s32 $0x6200  }
0xc0: {  	[tilespmem:s8], [sflag:$0x1] =	stream.indirect_vreg.gather [hbm4b:s3+s2], $0x80, v3, vm0, $0xb8;
	[tilespmem:$0x14200] =	vst v63  }
0xc1: {  	s8 =	simm.s32 $0x6A00  }
0xc2: {  	[tilespmem:s8], [sflag:$0x1] =	stream.indirect_vreg.gather [hbm4b:s5+s2], $0x80, v3, vm0, $0xb8;
	[tilespmem:$0x14200] =	vst v63  }
0xc3: {  	s8 =	simm.s32 $0x7200  }
0xc4: {  	[tilespmem:s8], [sflag:$0x1] =	stream.indirect_vreg.gather [hbm4b:s6+s2], $0x80, v3, vm0, $0xb8;
	[tilespmem:$0x14200] =	vst v63  }
0xc5: {  	s8 =	simm.s32 $0x7A00  }
0xc6: {  	[tilespmem:s8], [sflag:$0x1] =	stream.indirect_vreg.gather [hbm4b:s7+s2], $0x80, v3, vm0, $0xb8;
	[tilespmem:$0x14200] =	vst v63  }
0xc7: {  	v3 =	vld.msk [tilespmem:s0+$0xFFFFFFD8], $0xff;
	_ =	sdelay $0x4  }
0xc8: {  	v60 =	vshll.u32 v3, $0x3  }
0xc9: {  	v3 =	vand.u32 $0x7, v3;
	v4 =	vand.u32 $0xFFFFFFC0, v60  }
0xca: {  	v3 =	vor.u32 v3, v4  }
0xcb: {  	v3 =	vperm.xlane v3, v0;
	_ =	sdelay $0x1  }
0xcc: {  	v3 =	vadd.s32 v1, v3;
	_ =	sdelay $0x3  }
0xcd: {  	s8 =	simm.s32 $0x8200  }
0xce: {  	[tilespmem:s8], [sflag:$0x1] =	stream.indirect_vreg.gather [hbm4b:s3+s2], $0x80, v3, vm0, $0xb8;
	[tilespmem:$0x14200] =	vst v63  }
0xcf: {  	s8 =	simm.s32 $0x8A00  }
0xd0: {  	[tilespmem:s8], [sflag:$0x1] =	stream.indirect_vreg.gather [hbm4b:s5+s2], $0x80, v3, vm0, $0xb8;
	[tilespmem:$0x14200] =	vst v63  }
0xd1: {  	s8 =	simm.s32 $0x9200  }
0xd2: {  	[tilespmem:s8], [sflag:$0x1] =	stream.indirect_vreg.gather [hbm4b:s6+s2], $0x80, v3, vm0, $0xb8;
	[tilespmem:$0x14200] =	vst v63  }
0xd3: {  	s8 =	simm.s32 $0x9A00  }
0xd4: {  	[tilespmem:s8], [sflag:$0x1] =	stream.indirect_vreg.gather [hbm4b:s7+s2], $0x80, v3, vm0, $0xb8;
	[tilespmem:$0x14200] =	vst v63  }
0xd5: {  	_ =	swait.ge [sflag:s31], $0xA000  }
0xd6: {  	[sflag:s31] =	ssyncset.done $0x0  }
0xd7: {  	[sflag:s31] =	ssyncadd.s32 $0xFFFF6000  }
0xd8: {  	v3 =	vld [tilespmem:s0+$0xFFFFFFE0];
	_ =	sdelay $0x4  }
0xd9: {  	v61 =	vshll.u32 v3, $0x3  }
0xda: {  	v3 =	vand.u32 $0x7, v3;
	v4 =	vand.u32 $0xFFFFFFC0, v61  }
0xdb: {  	v3 =	vor.u32 v3, v4  }
0xdc: {  	v4 =	vperm.xlane v3, v0;
	_ =	sdelay $0x1  }
0xdd: {  	v4 =	vadd.s32 v1, v4;
	_ =	sdelay $0x4  }
0xde: {  	[tilespmem:s1], [sflag:$0x2] =	stream.indirect_vreg.gather [hbm4b:s3+s2], $0x80, v4, vm0, $0xb8;
	[tilespmem:$0x14200] =	vst v63  }
0xdf: {  	s8 =	simm.s32 $0xAA00;
	v3 =	vperm.xlane v3, v2  }
0xe0: {  	[tilespmem:s8], [sflag:$0x2] =	stream.indirect_vreg.gather [hbm4b:s5+s2], $0x80, v4, vm0, $0xb8;
	[tilespmem:$0x14200] =	vst v63  }
0xe1: {  	v3 =	vadd.s32 v1, v3;
	s8 =	simm.s32 $0xB200  }
0xe2: {  	[tilespmem:s8], [sflag:$0x2] =	stream.indirect_vreg.gather [hbm4b:s6+s2], $0x80, v4, vm0, $0xb8;
	[tilespmem:$0x14200] =	vst v63  }
0xe3: {  	s8 =	simm.s32 $0xBA00  }
0xe4: {  	[tilespmem:s8], [sflag:$0x2] =	stream.indirect_vreg.gather [hbm4b:s7+s2], $0x80, v4, vm0, $0xb8;
	[tilespmem:$0x14200] =	vst v63  }
0xe5: {  	_ = 	snop  }
0xe6: {  	[tilespmem:s10], [sflag:$0x2] =	stream.indirect_vreg.gather [hbm4b:s3+s2], $0x80, v3, vm0, $0xb8;
	[tilespmem:$0x14200] =	vst v63  }
0xe7: {  	_ = 	snop  }
0xe8: {  	[tilespmem:s12], [sflag:$0x2] =	stream.indirect_vreg.gather [hbm4b:s5+s2], $0x80, v3, vm0, $0xb8;
	[tilespmem:$0x14200] =	vst v63  }
0xe9: {  	_ = 	snop  }
0xea: {  	[tilespmem:s13], [sflag:$0x2] =	stream.indirect_vreg.gather [hbm4b:s6+s2], $0x80, v3, vm0, $0xb8;
	[tilespmem:$0x14200] =	vst v63  }
0xeb: {  	_ = 	snop  }
0xec: {  	[tilespmem:s14], [sflag:$0x2] =	stream.indirect_vreg.gather [hbm4b:s7+s2], $0x80, v3, vm0, $0xb8;
	[tilespmem:$0x14200] =	vst v63  }
0xed: {  	v3 =	vld [tilespmem:s0+$0xFFFFFFF0];
	_ =	sdelay $0x4  }
0xee: {  	v62 =	vshll.u32 v3, $0x3  }
0xef: {  	v3 =	vand.u32 $0x7, v3;
	v4 =	vand.u32 $0xFFFFFFC0, v62  }
0xf0: {  	v3 =	vor.u32 v3, v4  }
0xf1: {  	v4 =	vperm.xlane v3, v0;
	_ =	sdelay $0x1  }
0xf2: {  	v4 =	vadd.s32 v1, v4;
	_ =	sdelay $0x4  }
0xf3: {  	[tilespmem:s15], [sflag:$0x2] =	stream.indirect_vreg.gather [hbm4b:s3+s2], $0x80, v4, vm0, $0xb8;
	[tilespmem:$0x14200] =	vst v63  }
0xf4: {  	v3 =	vperm.xlane v3, v2  }
0xf5: {  	[tilespmem:s16], [sflag:$0x2] =	stream.indirect_vreg.gather [hbm4b:s5+s2], $0x80, v4, vm0, $0xb8;
	[tilespmem:$0x14200] =	vst v63  }
0xf6: {  	v3 =	vadd.s32 v1, v3  }
0xf7: {  	[tilespmem:s17], [sflag:$0x2] =	stream.indirect_vreg.gather [hbm4b:s6+s2], $0x80, v4, vm0, $0xb8;
	[tilespmem:$0x14200] =	vst v63  }
0xf8: {  	_ = 	snop  }
0xf9: {  	[tilespmem:s18], [sflag:$0x2] =	stream.indirect_vreg.gather [hbm4b:s7+s2], $0x80, v4, vm0, $0xb8;
	[tilespmem:$0x14200] =	vst v63  }
0xfa: {  	_ = 	snop  }
0xfb: {  	[tilespmem:s19], [sflag:$0x2] =	stream.indirect_vreg.gather [hbm4b:s3+s2], $0x80, v3, vm0, $0xb8;
	[tilespmem:$0x14200] =	vst v63  }
0xfc: {  	_ = 	snop  }
0xfd: {  	[tilespmem:s20], [sflag:$0x2] =	stream.indirect_vreg.gather [hbm4b:s5+s2], $0x80, v3, vm0, $0xb8;
	[tilespmem:$0x14200] =	vst v63  }
0xfe: {  	_ = 	snop  }
0xff: {  	[tilespmem:s21], [sflag:$0x2] =	stream.indirect_vreg.gather [hbm4b:s6+s2], $0x80, v3, vm0, $0xb8;
	[tilespmem:$0x14200] =	vst v63  }
0x100: {  	_ = 	snop  }
0x101: {  	[tilespmem:s22], [sflag:$0x2] =	stream.indirect_vreg.gather [hbm4b:s7+s2], $0x80, v3, vm0, $0xb8;
	[tilespmem:$0x14200] =	vst v63  }
0x102: {  	v3 =	vld.msk [tilespmem:s0+$0x0], $0xff;
	_ =	sdelay $0x4  }
0x103: {  	v63 =	vshll.u32 v3, $0x3  }
0x104: {  	v3 =	vand.u32 $0x7, v3;
	v4 =	vand.u32 $0xFFFFFFC0, v63  }
0x105: {  	v3 =	vor.u32 v3, v4  }
0x106: {  	v3 =	vperm.xlane v3, v0;
	_ =	sdelay $0x1  }
0x107: {  	v3 =	vadd.s32 v1, v3;
	_ =	sdelay $0x4  }
0x108: {  	[tilespmem:s23], [sflag:$0x2] =	stream.indirect_vreg.gather [hbm4b:s3+s2], $0x80, v3, vm0, $0xb8;
	[tilespmem:$0x14200] =	vst v63  }
0x109: {  	_ = 	snop  }
0x10a: {  	[tilespmem:s24], [sflag:$0x2] =	stream.indirect_vreg.gather [hbm4b:s5+s2], $0x80, v3, vm0, $0xb8;
	[tilespmem:$0x14200] =	vst v63  }
.Ltmp3:
0x10b: {  	_ = 	snop;
	(pc) =	sbr.rel .LBB2_2-.Ltmp3, $4  }
0x10c: {  	_ = 	snop  }
0x10d: {  	[tilespmem:s25], [sflag:$0x2] =	stream.indirect_vreg.gather [hbm4b:s6+s2], $0x80, v3, vm0, $0xb8;
	[tilespmem:$0x14200] =	vst v63  }
0x10e: {  	s4 =	sadd.s32 $0x2800, s4;
	s0 =	sadd.s32 $0x50, s0  }
0x10f: {  	[tilespmem:s26], [sflag:$0x2] =	stream.indirect_vreg.gather [hbm4b:s7+s2], $0x80, v3, vm0, $0xb8;
	[tilespmem:$0x14200] =	vst v63  }
.LBB2_5:
0x110: {  	_ =	sfence.sel $0x180000  }
0x111: {  	[bflag:$0x0] =	sbarrier.arrive $0xFFFF  }
0x112: {  	_ =	strace $0x90000047  }
0x113: {  	s0 =	stileid.u32;
	[bflag:$0x2] =	sbarrier.arrive $0xFFFF  }
0x114: {  	p0 =	sne.s32 s0, $0x0;
	s0 =	rddreg [dreg:$0x1]  }
0x115: {  	s0 =	sadd.s32 @!p0 $0x100000, s0  }
0x116: {  	[sflag:s0] =	ssyncadd.tile.s32 @!p0 $0x1;
	_ =	shalt  }
.Lfunc_end2:
_tile_overlayer_lowered:
.L_overlay_start_2:
0x117: {  	(tag) =	ssettag $0x2  }
0x118: {  	s0 =	rddreg [dreg:$0x0];
	s2 =	stileid.u32  }
0x119: {  	s1 =	rddreg [dreg:$0x1];
	p0 =	sne.s32 s2, $0x0  }
0x11a: {  	s3 =	rddreg [dreg:$0x2];
	[bflag:$0x3] =	sbarrier.arrive $0xFFFF;
	s2 =	simm.s32 @!p0 $0x1C05  }
0x11b: {  	[timem:s3], [sflag:s2] =	dma.local @!p0 [hbm:s0], s1  }
0x11c: {  	s0 =	simm.s32 @!p0 $0x5  }
0x11d: {  	_ =	swait.ge @!p0 [sflag:s0], s1  }
0x11e: {  	s1 =	ssub.s32 @!p0 $0x0, s1;
	[sflag:s0] =	ssyncset.done @!p0 $0x0  }
0x11f: {  	[sflag:s0] =	ssyncadd.s32 @!p0 s1  }
0x120: {  	[bflag:$0x3] =	sbarrier.arrive $0xFFFF  }
0x121: {  	_ =	shalt  }

// kernel: kernel.16.cloned.1.call-start
scs
__scs_entry_jumppad:
0x0: {  	(pc) =	sbr.rel $0x88, $3  }
0x1: {  	(tag) =	ssettag $0x0;
	lr =	simm.s32 $0x1  }
0x2: {  	[smem:$0x3F9E] =	sst lr;
	_ =	strace $0xD0000000  }
0x3: {  	_ = 	snop  }
0x4: {  	_ = 	snop  }
0x5: {  	_ = 	snop  }
0x6: {  	_ = 	snop  }
0x7: {  	_ = 	snop  }
__scs_overlays_trampoline_lowered:
0x8: {  	[smem:$0x3FAD] =	sst s0  }
0x9: {  	[smem:$0x3FAE] =	sst s1  }
0xa: {  	[smem:$0x3FAF] =	sst s2  }
0xb: {  	[smem:$0x3FB0] =	sst s3  }
0xc: {  	[smem:$0x3FB1] =	sst s4  }
0xd: {  	[smem:$0x3FB2] =	sst s5  }
0xe: {  	[smem:$0x3FB3] =	sst s6  }
0xf: {  	[smem:$0x3FB4] =	sst s7  }
0x10: {  	[smem:$0x3FB5] =	sst s8  }
0x11: {  	[smem:$0x3FB6] =	sst s9;
	s0 =	simm.s32 @!p0 $0x0  }
0x12: {  	s1 =	sld [smem:$0x3F9C];
	s0 =	simm.s32 @p0 $0x1  }
0x13: {  	[smem:$0x3FB7] =	sst s0;
	s0 =	simm.s32 @!p1 $0x0  }
0x14: {  	s2 =	sld [smem:$0x3F9B];
	s0 =	simm.s32 @p1 $0x1  }
0x15: {  	[smem:$0x3FB8] =	sst s0;
	s0 =	simm.s32 @!p2 $0x0  }
0x16: {  	s3 =	sld [smem:$0x3FDB];
	s0 =	simm.s32 @p2 $0x1  }
0x17: {  	s4 =	simm.s32 $0x1BF5;
	[smem:$0x3FBA] =	sst s0  }
0x18: {  	s0 =	sld [smem:$0x3F9D];
	_ =	swait.ge [sflag:s4], $0x0  }
0x19: {  	s7 =	sld [smem:$0x3F9E]  }
0x1a: {  	s8 =	sadd.s32 $0xFFFFE003, lr  }
0x1b: {  	s9 =	sadd.s32 $0xFFFFFEF7, lr;
	s5 =	simm.s32 $0xFFFFFFFF;
	p2 =	slt.u32 s8, $0xFFFFF086  }
0x1c: {  	p1 =	slt.u32 s9, $0xF7A;
	s5 =	simm.s32 @!p2 $0x0  }
0x1d: {  	s5 =	simm.s32 @p1 $0x1;
	p0 =	seq.s32 s7, s2  }
0x1e: {  	s7 =	smul.u32 @!p0 $0xF7A, s2;
	p2 =	seq.s32 @!p0 s5, $0x0  }
0x1f: {  	s9 =	smul.u32 $0xF7A, s1;
	s8 =	simm.s32 @!p0 $0x1BF5;
	p2 =	por !p2, p0  }
0x20: {  	[sflag:s8] =	ssyncset.s32 @!p0 $0xFFFFF086;
	s6 =	sadd.s32 @!p0 s3, s7;
	s7 =	simm.s32 @!p0 $0x108  }
0x21: {  	s3 =	sadd.s32 s3, s9;
	s6 =	sadd.s32 @!p0 $0x88, s6;
	s7 =	simm.s32 @p2 $0x1082  }
0x22: {  	[simem:s7], [sflag:s8] =	dma.local @!p0 [hbm:s6], $0xF7A  }
0x23: {  	s9 =	sor.u32 $0xD0000000, s2;
	s6 =	simm.s32 $0x108;
	_ =	swait.ge @!p0 [sflag:s8], $0x0  }
0x24: {  	s3 =	sadd.s32 $0x88, s3;
	s6 =	simm.s32 @!p1 $0x1082;
	[sflag:s4] =	ssyncset.s32 $0xFFFFF086  }
0x25: {  	[simem:s6], [sflag:s4] =	dma.local [hbm:s3], $0xF7A  }
0x26: {  	[smem:$0x3F9E] =	sst s1;
	(tag) =	ssettag s2;
	_ =	strace s9  }
0x27: {  	s1 =	sld [smem:$0x3FAE]  }
0x28: {  	s2 =	sld [smem:$0x3FAF]  }
0x29: {  	s4 =	sld [smem:$0x3FB1]  }
0x2a: {  	p0 =	seq.s32 s5, $0x0;
	s5 =	sld [smem:$0x3FB2]  }
0x2b: {  	s6 =	sld [smem:$0x3FB3]  }
0x2c: {  	s7 =	sld [smem:$0x3FB4]  }
0x2d: {  	s3 =	simm.s32 $0x108;
	s8 =	sld [smem:$0x3FB5]  }
0x2e: {  	s3 =	simm.s32 @!p0 $0x1082;
	s9 =	sld [smem:$0x3FB6]  }
0x2f: {  	lr =	sadd.s32 s0, s3;
	s0 =	sld [smem:$0x3FAD]  }
0x30: {  	s3 =	sld [smem:$0x3FB0]  }
0x31: {  	[smem:$0x3FB9] =	sst s10  }
0x32: {  	s10 =	sld [smem:$0x3FB7];
	_ =	sdelay $0x3  }
0x33: {  	p0 =	seq.s32 s10, $0x1;
	s10 =	sld [smem:$0x3FB9];
	_ =	sdelay $0x3  }
0x34: {  	[smem:$0x3FB9] =	sst s10  }
0x35: {  	s10 =	sld [smem:$0x3FB8];
	_ =	sdelay $0x3  }
0x36: {  	p1 =	seq.s32 s10, $0x1;
	s10 =	sld [smem:$0x3FB9];
	_ =	sdelay $0x3  }
0x37: {  	[smem:$0x3FB9] =	sst s10  }
0x38: {  	s10 =	sld [smem:$0x3FBA]  }
0x39: {  	_ = 	snop;
	(pc) =	sbr.ind lr, $3  }
0x3a: {  	_ = 	snop  }
0x3b: {  	_ = 	snop  }
0x3c: {  	p2 =	seq.s32 s10, $0x1;
	s10 =	sld [smem:$0x3FB9]  }
0x3d: {  	_ =	shalt  }
0x3e: {  	_ =	shalt  }
0x3f: {  	_ =	shalt  }
0x40: {  	_ =	shalt  }
0x41: {  	_ =	shalt  }
0x42: {  	_ =	shalt  }
0x43: {  	_ =	shalt  }
0x44: {  	_ =	shalt  }
0x45: {  	_ =	shalt  }
0x46: {  	_ =	shalt  }
0x47: {  	_ =	shalt  }
0x48: {  	_ =	shalt  }
0x49: {  	_ =	shalt  }
0x4a: {  	_ =	shalt  }
0x4b: {  	_ =	shalt  }
0x4c: {  	_ =	shalt  }
0x4d: {  	_ =	shalt  }
0x4e: {  	_ =	shalt  }
0x4f: {  	_ =	shalt  }
0x50: {  	_ =	shalt  }
0x51: {  	_ =	shalt  }
0x52: {  	_ =	shalt  }
0x53: {  	_ =	shalt  }
0x54: {  	_ =	shalt  }
0x55: {  	_ =	shalt  }
0x56: {  	_ =	shalt  }
0x57: {  	_ =	shalt  }
0x58: {  	_ =	shalt  }
0x59: {  	_ =	shalt  }
0x5a: {  	_ =	shalt  }
0x5b: {  	_ =	shalt  }
0x5c: {  	_ =	shalt  }
0x5d: {  	_ =	shalt  }
0x5e: {  	_ =	shalt  }
0x5f: {  	_ =	shalt  }
0x60: {  	_ =	shalt  }
0x61: {  	_ =	shalt  }
0x62: {  	_ =	shalt  }
0x63: {  	_ =	shalt  }
0x64: {  	_ =	shalt  }
0x65: {  	_ =	shalt  }
0x66: {  	_ =	shalt  }
0x67: {  	_ =	shalt  }
0x68: {  	_ =	shalt  }
0x69: {  	_ =	shalt  }
0x6a: {  	_ =	shalt  }
0x6b: {  	_ =	shalt  }
0x6c: {  	_ =	shalt  }
0x6d: {  	_ =	shalt  }
0x6e: {  	_ =	shalt  }
0x6f: {  	_ =	shalt  }
0x70: {  	_ =	shalt  }
0x71: {  	_ =	shalt  }
0x72: {  	_ =	shalt  }
0x73: {  	_ =	shalt  }
0x74: {  	_ =	shalt  }
0x75: {  	_ =	shalt  }
0x76: {  	_ =	shalt  }
0x77: {  	_ =	shalt  }
0x78: {  	_ =	shalt  }
0x79: {  	_ =	shalt  }
0x7a: {  	_ =	shalt  }
0x7b: {  	_ =	shalt  }
0x7c: {  	_ =	shalt  }
0x7d: {  	_ =	shalt  }
0x7e: {  	_ =	shalt  }
0x7f: {  	_ =	shalt  }
0x80: {  	_ =	shalt  }
0x81: {  	_ =	shalt  }
0x82: {  	_ =	shalt  }
0x83: {  	_ =	shalt  }
0x84: {  	_ =	shalt  }
0x85: {  	_ =	shalt  }
0x86: {  	_ =	shalt  }
0x87: {  	_ =	shalt  }
.Lfunc_end0:
.L_simem_size_0:
called_computation.2_lowered:
.L_overlay_start_0:
0x88: {  	s2 =	sld [smem:$0x3FD9]  }
0x89: {  	s3 =	sld [smem:$0x3FFE];
	_ =	sdelay $0x1  }
0x8a: {  	s1 =	srdreg.scid  }
0x8b: {  	s0 =	sand.u32 $0x1, s1  }
0x8c: {  	s17 =	sshll.u32 s0, $0xA;
	s2 =	sadd.s32 s3, s2  }
0x8d: {  	s2 =	sadd.s32 s2, s17  }
0x8e: {  	[smem:$0x3FC5] =	sst s2  }
0x8f: {  	_ = 	snop  }
0x90: {  	(tm) =	ssettm $0x1  }
0x91: {  	s18 =	sld [smem:$0x3FFB];
	_ =	sdelay $0x3  }
0x92: {  	_ =	strace s18  }
0x93: {  	s2 =	sld [smem:$0x3FFC];
	_ =	sdelay $0x3  }
0x94: {  	_ =	strace s2  }
0x95: {  	s2 =	sld [smem:$0x3FFD];
	_ =	sdelay $0x3  }
0x96: {  	_ =	strace s2  }
0x97: {  	_ =	strace $0x8FFFFFFF  }
0x98: {  	s19 =	sld [smem:$0x3FDB];
	_ =	sdelay $0x1  }
0x99: {  	s20 =	simm.s32 $_scs_section_size  }
0x9a: {  	s4 =	simm.s32 $_size__tile_overlayer_lowered;
	s5 =	simm.s32 $_tile_overlayer_lowered  }
0x9b: {  	s6 =	simm.s32 $0x1BFF;
	s21 =	sshll.u32 s5, $0x1;
	s3 =	sadd.s32 s20, s19  }
0x9c: {  	s22 =	simm.s32 $0x0;
	s4 =	sshll.u32 s4, $0x1;
	s5 =	sadd.s32 s21, s3  }
0x9d: {  	[timem:s22], [sflag:s6] =	dma.local [hbm:s5], s4  }
0x9e: {  	_ =	swait.ge [sflag:s6], s4  }
0x9f: {  	s4 =	ssub.s32 $0x0, s4;
	[sflag:s6] =	ssyncset.done $0x0  }
0xa0: {  	[sflag:s6] =	ssyncadd.s32 s4;
	_ =	sdelay $0x1  }
0xa1: {  	s23 =	simm.s32 $0x1B8B  }
0xa2: {  	_ =	swait.ge [sflag:s23], $0x1  }
0xa3: {  	[sflag:s23] =	ssyncset.done $0x0  }
0xa4: {  	[sflag:s23] =	ssyncadd.s32 $0xFFFFFFFF  }
0xa5: {  	s4 =	sld [smem:$0x0]  }
0xa6: {  	s5 =	sand.u32 $0xFFFFFFFE, s1  }
0xa7: {  	p0 =	sne.s32 s1, s5  }
0xa8: {  	s5 =	sshll.u32 @p0 s5, $0xE  }
0xa9: {  	s5 =	sadd.s32 @p0 $0x11B8D, s5;
	s6 =	sshll.u32 @p0 s4, $0x11  }
0xaa: {  	s5 =	sor.u32 @p0 s6, s5  }
0xab: {  	[sflag:s5] =	ssyncadd.remote.s32 @p0 $0x1;
	_ =	sdelay $0x1  }
0xac: {  	s5 =	simm.s32 @p0 $0x1B8D  }
0xad: {  	_ =	swait.eq @p0 [sflag:s5], $0x1  }
0xae: {  	[sflag:s5] =	ssyncadd.s32 @p0 $0xFFFFFFFF  }
0xaf: {  	s6 =	sshll.u32 @!p0 s1, $0xE  }
0xb0: {  	s6 =	sor.u32 @!p0 $0x4000, s6;
	s5 =	simm.s32 @!p0 $0x1B8D  }
0xb1: {  	s4 =	sshll.u32 @!p0 s4, $0x11;
	s6 =	sadd.s32 @!p0 $0x11B8D, s6;
	_ =	swait.eq @!p0 [sflag:s5], $0x1  }
0xb2: {  	s4 =	sor.u32 @!p0 s4, s6;
	[sflag:s5] =	ssyncadd.s32 @!p0 $0xFFFFFFFF  }
0xb3: {  	s25 =	simm.s32 $0x1B8E;
	s24 =	sld [smem:$0x3FFE];
	[sflag:s4] =	ssyncadd.remote.s32 @!p0 $0x1  }
0xb4: {  	s26 =	simm.s32 $execute0_lowered;
	[smem:$0x3FD2] =	sst s25  }
0xb5: {  	s5 =	sshll.u32 s26, $0x1;
	_ =	strace $0x8000004C;
	[dreg:$0x1] =	wrdreg $0xFFFFFFFF  }
0xb6: {  	s28 =	simm.s32 $_size_execute0_lowered;
	s3 =	sadd.s32 s3, s5;
	[dreg:$0x0] =	wrdreg $0x0  }
0xb7: {  	s5 =	sshll.u32 s28, $0x1;
	[dreg:$0x2] =	wrdreg s3  }
0xb8: {  	[dreg:$0x3] =	wrdreg s5  }
0xb9: {  	[dreg:$0x4] =	wrdreg $0xC0  }
0xba: {  	_ =	task [dreg:s22], $0x5FFFF  }
0xbb: {  	[dreg:$0x1] =	wrdreg $0xFFFFFFFF  }
0xbc: {  	[dreg:$0x0] =	wrdreg $0x60  }
0xbd: {  	[dreg:$0x2] =	wrdreg s24  }
0xbe: {  	[dreg:$0x3] =	wrdreg $0xA  }
0xbf: {  	_ =	task.clear_ibuf [dreg:s22], $0x4FFFF;
	_ =	strace $0x9000004C  }
0xc0: {  	s29 =	simm.s32 $0xA;
	_ =	strace $0x8000004E  }
0xc1: {  	_ =	swait.ge [sflag:s29], $0x1  }
0xc2: {  	[sflag:s29] =	ssyncadd.s32 $0xFFFFFFFF  }
0xc3: {  	_ =	strace $0x9000004E  }
0xc4: {  	_ =	sfence  }
0xc5: {  	s30 =	sld [smem:$0x0];
	_ =	sdelay $0x2  }
0xc6: {  	s31 =	sshll.u32 s1, $0xD;
	s1 =	sshrl.u32 s1, $0x2  }
0xc7: {  	s4 =	sand.u32 $0x4000, s31;
	s1 =	sadd.s32 s1, s30  }
0xc8: {  	s0 =	sor.u32 s4, s0;
	s1 =	sshll.u32 s1, $0x11  }
0xc9: {  	s0 =	sor.u32 s1, s0  }
0xca: {  	s0 =	sadd.s32 $0x8F2B, s0  }
0xcb: {  	[sflag:s0] =	ssyncadd.remote.s32 $0x1  }
0xcc: {  	_ =	sfence.sel $0xFFFF  }
0xcd: {  	[dreg:$0x0] =	wrdreg $0xFFFFFFFF;
	(pc) =	sbr.abs _section_cstart, $3  }
0xce: {  	[dreg:$0x1] =	wrdreg $0xFFFFFFFF  }
0xcf: {  	_ =	task.clear_ibuf [dreg:s22], $0x2FFFF;
	_ =	strace $0x9FFFFFFF  }
0xd0: {  	(tm) =	ssettm $0x7FFFFFFF  }
0xd1: {  	_ =	shalt  }
tec
execute0_lowered:
.L_overlay_start_1:
0x0: {  	(tag) =	ssettag $0x1  }
0x1: {  	s1 =	srdreg.scid  }
0x2: {  	s0 =	stileid.u32;
	s5 =	rddreg [dreg:$0x0]  }
0x3: {  	s2 =	simm.s32 $0x0;
	s10 =	simm.s32 $0xC80;
	s11 =	simm.s32 $0x50  }
0x4: {  	s12 =	simm.s32 $0x1068;
	s13 =	simm.s32 $0x16A8;
	s14 =	simm.s32 $0x3EA8  }
0x5: {  	s15 =	simm.s32 $0x1;
	s16 =	simm.s32 $0x2;
	s17 =	simm.s32 $0x66A8  }
0x6: {  	s4 =	sand.u32 $0x1, s1;
	s3 =	sshll.u32 s0, $0x1;
	s1 =	rddreg [dreg:$0x1]  }
0x7: {  	s18 =	simm.s32 $0x0;
	[smem:$0x7FF] =	sst s2;
	s6 =	sor.u32 s4, s3  }
0x8: {  	v0 =	vlaneseq.u32;
	_ =	strace $0x8000004D;
	s8 =	ssub.s32 $0x2, s4;
	s7 =	smul.u32 $0xC8, s6  }
0x9: {  	v0 =	vmul.u32 $0x80, v0;
	s3 =	sadd.s32 $0x3E4200, s5;
	s4 =	sadd.s32 $0x21600, s5;
	s31 =	sshrl.u32 s8, $0x1  }
0xa: {  	s6 =	sshll.u32 s6, $0x1;
	s8 =	ssub.s32 s8, s31;
	s7 =	sadd.s32 s7, s5  }
0xb: {  	v1 =	vor.u32 $0x800, v0;
	s9 =	sadd.s32 s6, s5;
	s8 =	smax.u32 s8, $0x1;
	s5 =	sadd.s32 $0x21800, s7  }
0xc: {  	v2 =	vor.u32 $0x1000, v0;
	v3 =	vor.u32 $0x1800, v0;
	v4 =	vor.u32 $0x2000, v0;
	s6 =	sadd.s32 $0x403600, s7;
	s7 =	sadd.s32 $0x23400, s9;
	s9 =	simm.s32 $0x3  }
.LBB2_1:
0xd: {  	[tilespmem:s2], [sflag:$0x3] =	stream.linear.gather [hbm4b:s5+s2], $0x640, $0x38;
	[tilespmem:$0x66B8] =	vst v63  }
0xe: {  	_ =	swait.ge [sflag:s9], $0x640  }
0xf: {  	[sflag:s9] =	ssyncset.done $0x0  }
0x10: {  	s19 =	simm.s32 $0x640;
	[sflag:s9] =	ssyncadd.s32 $0xFFFFF9C0  }
0x11: {  	[tilespmem:s19], [sflag:$0x3] =	stream.linear.gather [hbm4b:s6+s2], $0x640, $0x38;
	[tilespmem:$0x66B8] =	vst v63  }
0x12: {  	_ =	swait.ge [sflag:s9], $0x640  }
0x13: {  	[sflag:s9] =	ssyncset.done $0x0  }
0x14: {  	[sflag:s9] =	ssyncadd.s32 $0xFFFFF9C0  }
0x15: {  	[tilespmem:s10], [sflag:$0x3] =	stream.linear.gather [hbm4b:s4+s2], $0x3E8, $0x38;
	[tilespmem:$0x66B8] =	vst v63  }
0x16: {  	_ =	swait.ge [sflag:s9], $0x3E8  }
0x17: {  	[sflag:s9] =	ssyncset.done $0x0  }
0x18: {  	[sflag:s9] =	ssyncadd.s32 $0xFFFFFC18  }
0x19: {  	v5 =	vld [tilespmem:s2+$0x0]  }
0x1a: {  	v6 =	vld [tilespmem:s19+$0x0];
	_ =	sdelay $0x4  }
0x1b: {  	v5 =	vshll.u32 v5, $0x3;
	v6 =	vshrl.u32 v6, $0x7  }
0x1c: {  	v5 =	vadd.s32 v5, v6  }
0x1d: {  	s19 =	simm.s32 $0x10;
	[tilespmem:s12+$0x0] =	vst v5  }
0x1e: {  	s21 =	simm.s32 $0x650;
	v5 =	vld [tilespmem:s19+$0x0]  }
0x1f: {  	s22 =	simm.s32 $0x2;
	s20 =	simm.s32 $0x1068;
	v6 =	vld [tilespmem:s21+$0x0]  }
.LBB2_2:
0x20: {  	p0 =	sne.s32 s22, $0x63;
	_ =	sdelay $0x3  }
.Ltmp0:
0x21: {  	v5 =	vshll.u32 v5, $0x3;
	v6 =	vshrl.u32 v6, $0x7;
	(pc) =	sbr.rel @p0 .LBB2_2-.Ltmp0, $4  }
0x22: {  	s20 =	sadd.s32 $0x10, s20;
	v5 =	vadd.s32 v5, v6  }
0x23: {  	s19 =	sadd.s32 $0x10, s19;
	[tilespmem:s20+$0x0] =	vst v5  }
0x24: {  	s21 =	sadd.s32 $0x10, s21;
	v5 =	vld [tilespmem:s19+$0x0]  }
0x25: {  	s22 =	sadd.s32 $0x1, s22;
	v6 =	vld [tilespmem:s21+$0x0]  }
0x26: {  	_ =	sdelay $0x3  }
0x27: {  	v5 =	vshll.u32 v5, $0x3;
	v6 =	vshrl.u32 v6, $0x7  }
0x28: {  	s19 =	sadd.s32 $0x10, s20;
	v5 =	vadd.s32 v5, v6  }
0x29: {  	[tilespmem:s19+$0x0] =	vst v5  }
0x2a: {  	[tilespmem:s13], [sflag:$0x1] =	stream.indirect.gather [hbm4b:s3+s11], $0x80, s12, s11, $0xb8;
	[tilespmem:$0x66B8] =	vst v63  }
0x2b: {  	s30 =	simm.s32 $0x10B8  }
0x2c: {  	[tilespmem:s14], [sflag:$0x2] =	stream.indirect.gather [hbm4b:s3+s11], $0x80, s30, s11, $0xb8;
	[tilespmem:$0x66B8] =	vst v63  }
0x2d: {  	_ =	swait.ge [sflag:s15], $0x2800  }
0x2e: {  	[sflag:s15] =	ssyncset.done $0x0  }
0x2f: {  	s31 =	simm.s32 $0x0;
	[sflag:s15] =	ssyncadd.s32 $0xFFFFD800  }
0x30: {  	v5 =	vld [tilespmem:s31+$0x30]  }
0x31: {  	v6 =	vld [tilespmem:s31+$0x680]  }
0x32: {  	v7 =	vld [tilespmem:s31+$0x670]  }
0x33: {  	v8 =	vld [tilespmem:s31+$0x650]  }
0x34: {  	v11 =	vld [tilespmem:s31+$0x10]  }
0x35: {  	v9 =	vld [tilespmem:s31+$0x660];
	_ =	sdelay $0x1  }
0x36: {  	v10 =	vld [tilespmem:s31+$0x640];
	v6 =	vand.u32 $0x7F, v6  }
0x37: {  	v12 =	vld [tilespmem:s31+$0x0];
	v7 =	vand.u32 $0x7F, v7;
	v6 =	vor.u32 v4, v6  }
0x38: {  	v13 =	vld [tilespmem:s31+$0x20];
	v8 =	vand.u32 $0x7F, v8;
	v7 =	vor.u32 v3, v7  }
0x39: {  	v14 =	vld [tilespmem:s31+$0x40];
	v9 =	vand.u32 $0x7F, v9;
	v8 =	vor.u32 v1, v8  }
0x3a: {  	v9 =	vor.u32 v2, v9;
	v5 =	vld.idx.msk [tilespmem:v5+s10+$0x0], $0xffff  }
0x3b: {  	v11 =	vld.idx.msk [tilespmem:v11+s10+$0x0], $0xffff  }
0x3c: {  	v15 =	vld.idx.msk [tilespmem:v6+s13+$0x0], $0xffff  }
0x3d: {  	v6 =	vld.idx.msk [tilespmem:v7+s13+$0x0], $0xffff;
	v7 =	vand.u32 $0x7F, v10  }
0x3e: {  	v8 =	vld.idx.msk [tilespmem:v8+s13+$0x0], $0xffff;
	v7 =	vor.u32 v0, v7  }
0x3f: {  	v9 =	vld.idx.msk [tilespmem:v9+s13+$0x0], $0xffff  }
0x40: {  	v10 =	vld.idx.msk [tilespmem:v12+s10+$0x0], $0xffff  }
0x41: {  	p0 =	por $0x0, $0x0;
	v12 =	vld.idx.msk [tilespmem:v14+s10+$0x0], $0xffff  }
0x42: {  	s20 =	simm.s32 @!p0 $0x1108;
	s21 =	simm.s32 @!p0 $0x50;
	s22 =	simm.s32 @!p0 $0x16A8;
	v14 =	vld.idx.msk [tilespmem:v13+s10+$0x0], $0xffff  }
0x43: {  	v7 =	vld.idx.msk [tilespmem:v7+s13+$0x0], $0xffff;
	[tilespmem:s22], [sflag:$0x1] =	stream.indirect.gather @!p0 [hbm4b:s3+s21], $0x80, s20, s21, $0xb8  }
0x44: {  	_ =	swait.ge [sflag:s16], $0x2800  }
0x45: {  	[sflag:s16] =	ssyncset.done $0x0  }
0x46: {  	[sflag:s16] =	ssyncadd.s32 $0xFFFFD800  }
0x47: {  	v13 =	vld [tilespmem:s31+$0x690]  }
0x48: {  	v16 =	vld [tilespmem:s31+$0x6A0]  }
0x49: {  	v18 =	vld [tilespmem:s31+$0x6B0]  }
0x4a: {  	v17 =	vld [tilespmem:s31+$0x50];
	_ =	sdelay $0x1  }
0x4b: {  	v20 =	vld [tilespmem:s31+$0x6C0]  }
0x4c: {  	v19 =	vld [tilespmem:s31+$0x60];
	v13 =	vand.u32 $0x7F, v13  }
0x4d: {  	v8 =	vsub.f32 v11, v8;
	v61 =	vld [tilespmem:s31+$0x70];
	v18 =	vand.u32 $0x7F, v18;
	v21 =	vor.u32 v0, v13  }
0x4e: {  	v22 =	vld [tilespmem:s31+$0x6D0];
	v7 =	vsub.f32 v10, v7;
	v13 =	vand.u32 $0x7F, v16;
	v11 =	vor.u32 v2, v18  }
0x4f: {  	v23 =	vld [tilespmem:s31+$0x80];
	v10 =	vor.u32 v1, v13;
	v13 =	vimm.f32 $0.0e+00  }
0x50: {  	v62 =	vand.u32 $0x7F, v20;
	v7 =	vadd.f32 v7, v13;
	v13 =	vld [tilespmem:s31+$0x90]  }
0x51: {  	v9 =	vsub.f32 v14, v9;
	v14 =	vor.u32 v3, v62;
	v17 =	vld.idx.msk [tilespmem:v17+s10+$0x0], $0xffff  }
0x52: {  	v8 =	vadd.f32 v8, v7;
	v63 =	vld.idx.msk [tilespmem:v21+s14+$0x0], $0xffff  }
0x53: {  	v5 =	vsub.f32 v5, v6;
	v6 =	vld.idx.msk [tilespmem:v11+s14+$0x0], $0xffff  }
0x54: {  	v7 =	vld.idx.msk [tilespmem:v10+s14+$0x0], $0xffff;
	v8 =	vadd.f32 v9, v8  }
0x55: {  	v9 =	vld.idx.msk [tilespmem:v19+s10+$0x0], $0xffff;
	v10 =	vsub.f32 v12, v15;
	v12 =	vand.u32 $0x7F, v22  }
0x56: {  	v11 =	vadd.f32 v5, v8;
	v5 =	vld.idx.msk [tilespmem:v14+s14+$0x0], $0xffff;
	v14 =	vor.u32 v4, v12;
	_ =	sdelay $0x1  }
0x57: {  	v8 =	vld.idx.msk [tilespmem:v61+s10+$0x0], $0xffff  }
0x58: {  	s19 =	simm.s32 $0x280;
	s20 =	simm.s32 $0x500;
	v11 =	vadd.f32 v10, v11;
	v12 =	vsub.f32 v17, v63;
	v10 =	vld.idx.msk [tilespmem:v23+s10+$0x0], $0xffff  }
.LBB2_4:
0x59: {  	s21 =	sshra.s32 s19, $0x2;
	v13 =	vld.idx.msk [tilespmem:v13+s10+$0x0], $0xffff;
	s22 =	smov.u32 s20;
	s20 =	sadd.s32 $0x280, s20  }
0x5a: {  	v7 =	vsub.f32 v9, v7;
	p0 =	sne.s32 s20, $0x1900;
	s23 =	sadd.s32 $0x10B8, s21;
	v11 =	vadd.f32 v12, v11;
	v9 =	vld.idx.msk [tilespmem:v14+s14+$0x0], $0xffff  }
0x5b: {  	[tilespmem:s14], [sflag:$0x2] =	stream.indirect.gather [hbm4b:s3+s11], $0x80, s23, s11, $0xb8;
	[tilespmem:$0x66B8] =	vst v63  }
0x5c: {  	v6 =	vsub.f32 v8, v6;
	_ =	swait.ge [sflag:s15], $0x2800;
	v7 =	vadd.f32 v7, v11  }
0x5d: {  	[sflag:s15] =	ssyncset.done $0x0  }
0x5e: {  	v5 =	vsub.f32 v10, v5;
	[sflag:s15] =	ssyncadd.s32 $0xFFFFD800;
	v6 =	vadd.f32 v6, v7  }
0x5f: {  	v7 =	vld [tilespmem:s21+$0x30]  }
0x60: {  	v8 =	vld [tilespmem:s21+$0x680];
	v5 =	vadd.f32 v5, v6;
	v6 =	vsub.f32 v13, v9  }
0x61: {  	v9 =	vld [tilespmem:s21+$0x670]  }
0x62: {  	v10 =	vld [tilespmem:s21+$0x650];
	v5 =	vadd.f32 v6, v5  }
0x63: {  	v6 =	vld [tilespmem:s21+$0x660]  }
0x64: {  	v11 =	vld [tilespmem:s21+$0x640]  }
0x65: {  	v12 =	vld [tilespmem:s21+$0x10];
	v8 =	vand.u32 $0x7F, v8  }
0x66: {  	v13 =	vld [tilespmem:s21+$0x20];
	v9 =	vand.u32 $0x7F, v9;
	v8 =	vor.u32 v4, v8  }
0x67: {  	v14 =	vld [tilespmem:s21+$0x0];
	v10 =	vand.u32 $0x7F, v10;
	v9 =	vor.u32 v3, v9  }
0x68: {  	v10 =	vor.u32 v1, v10;
	v6 =	vand.u32 $0x7F, v6;
	v15 =	vld [tilespmem:s21+$0x40]  }
0x69: {  	v11 =	vand.u32 $0x7F, v11;
	v6 =	vor.u32 v2, v6;
	v7 =	vld.idx.msk [tilespmem:v7+s10+$0x0], $0xffff;
	_ =	sdelay $0x1  }
0x6a: {  	v8 =	vld.idx.msk [tilespmem:v8+s13+$0x0], $0xffff  }
0x6b: {  	v11 =	vor.u32 v0, v11;
	v9 =	vld.idx.msk [tilespmem:v9+s13+$0x0], $0xffff  }
0x6c: {  	v10 =	vld.idx.msk [tilespmem:v10+s13+$0x0], $0xffff  }
0x6d: {  	v6 =	vld.idx.msk [tilespmem:v6+s13+$0x0], $0xffff  }
0x6e: {  	v14 =	vld.idx.msk [tilespmem:v14+s10+$0x0], $0xffff  }
0x6f: {  	v12 =	vld.idx.msk [tilespmem:v12+s10+$0x0], $0xffff  }
0x70: {  	p1 =	seq.s32 s19, $0x1680;
	v15 =	vld.idx.msk [tilespmem:v15+s10+$0x0], $0xffff  }
0x71: {  	s23 =	sshra.s32 @!p1 s19, $0x2;
	s19 =	smov.u32 s22;
	v7 =	vsub.f32 v7, v9;
	v13 =	vld.idx.msk [tilespmem:v13+s10+$0x0], $0xffff  }
0x72: {  	s24 =	simm.s32 @!p1 $0x16A8;
	s22 =	sadd.s32 @!p1 $0x1108, s23;
	s23 =	simm.s32 @!p1 $0x50;
	v9 =	vld.idx.msk [tilespmem:v11+s13+$0x0], $0xffff  }
0x73: {  	[tilespmem:s24], [sflag:$0x1] =	stream.indirect.gather @!p1 [hbm4b:s3+s23], $0x80, s22, s23, $0xb8;
	[tilespmem:$0x66B8] =	vst v63  }
0x74: {  	_ =	swait.ge [sflag:s16], $0x2800  }
0x75: {  	v10 =	vsub.f32 v12, v10;
	[sflag:s16] =	ssyncset.done $0x0  }
0x76: {  	v11 =	vsub.f32 v15, v8;
	[sflag:s16] =	ssyncadd.s32 $0xFFFFD800  }
0x77: {  	v6 =	vsub.f32 v13, v6;
	v8 =	vld [tilespmem:s21+$0x690]  }
0x78: {  	v9 =	vsub.f32 v14, v9;
	v12 =	vld [tilespmem:s21+$0x6A0]  }
0x79: {  	v14 =	vld [tilespmem:s21+$0x50]  }
0x7a: {  	v5 =	vadd.f32 v9, v5;
	v9 =	vld [tilespmem:s21+$0x6B0]  }
0x7b: {  	v15 =	vld [tilespmem:s21+$0x60]  }
0x7c: {  	v5 =	vadd.f32 v10, v5;
	v8 =	vand.u32 $0x7F, v8;
	v10 =	vld [tilespmem:s21+$0x6C0]  }
0x7d: {  	v8 =	vor.u32 v0, v8;
	v12 =	vand.u32 $0x7F, v12;
	v16 =	vld [tilespmem:s21+$0x70]  }
0x7e: {  	v5 =	vadd.f32 v6, v5;
	v6 =	vor.u32 v1, v12;
	v12 =	vld [tilespmem:s21+$0x6D0]  }
0x7f: {  	v9 =	vand.u32 $0x7F, v9;
	v17 =	vld [tilespmem:s21+$0x80]  }
0x80: {  	v18 =	vadd.f32 v7, v5;
	v5 =	vor.u32 v2, v9;
	v13 =	vld [tilespmem:s21+$0x90]  }
0x81: {  	v19 =	vld.idx.msk [tilespmem:v14+s10+$0x0], $0xffff;
	v7 =	vand.u32 $0x7F, v10  }
0x82: {  	v10 =	vld.idx.msk [tilespmem:v8+s14+$0x0], $0xffff;
	v20 =	vor.u32 v3, v7  }
0x83: {  	v7 =	vld.idx.msk [tilespmem:v6+s14+$0x0], $0xffff;
	v6 =	vand.u32 $0x7F, v12  }
.Ltmp1:
0x84: {  	v9 =	vld.idx.msk [tilespmem:v15+s10+$0x0], $0xffff;
	v14 =	vor.u32 v4, v6;
	(pc) =	sbr.rel @p0 .LBB2_4-.Ltmp1, $4  }
0x85: {  	v6 =	vld.idx.msk [tilespmem:v5+s14+$0x0], $0xffff  }
0x86: {  	v8 =	vld.idx.msk [tilespmem:v16+s10+$0x0], $0xffff  }
0x87: {  	v5 =	vld.idx.msk [tilespmem:v20+s14+$0x0], $0xffff  }
0x88: {  	v11 =	vadd.f32 v11, v18;
	v12 =	vsub.f32 v19, v10;
	v10 =	vld.idx.msk [tilespmem:v17+s10+$0x0], $0xffff  }
0x89: {  	_ =	sdelay $0x2  }
0x8a: {  	s20 =	sshra.s32 s19, $0x2  }
0x8b: {  	v13 =	vld.idx.msk [tilespmem:v13+s10+$0x0], $0xffff;
	s21 =	sadd.s32 $0x10B8, s20  }
0x8c: {  	v14 =	vld.idx.msk [tilespmem:v14+s14+$0x0], $0xffff;
	[tilespmem:s14], [sflag:$0x2] =	stream.indirect.gather [hbm4b:s3+s11], $0x80, s21, s11, $0xb8  }
0x8d: {  	_ =	swait.ge [sflag:s15], $0x2800  }
0x8e: {  	[sflag:s15] =	ssyncset.done $0x0  }
0x8f: {  	[sflag:s15] =	ssyncadd.s32 $0xFFFFD800  }
0x90: {  	v15 =	vld [tilespmem:s20+$0x30]  }
0x91: {  	v16 =	vld [tilespmem:s20+$0x680]  }
0x92: {  	v17 =	vld [tilespmem:s20+$0x670]  }
0x93: {  	v18 =	vld [tilespmem:s20+$0x650]  }
0x94: {  	v22 =	vld [tilespmem:s20+$0x0]  }
0x95: {  	v21 =	vld [tilespmem:s20+$0x10]  }
0x96: {  	v24 =	vld [tilespmem:s20+$0x40]  }
0x97: {  	v23 =	vld [tilespmem:s20+$0x20]  }
0x98: {  	v19 =	vld [tilespmem:s20+$0x660]  }
0x99: {  	v20 =	vld [tilespmem:s20+$0x640]  }
0x9a: {  	v16 =	vand.u32 $0x7F, v16  }
0x9b: {  	v17 =	vand.u32 $0x7F, v17;
	v16 =	vor.u32 v4, v16;
	v15 =	vld.idx.msk [tilespmem:v15+s10+$0x0], $0xffff  }
0x9c: {  	v18 =	vand.u32 $0x7F, v18;
	v17 =	vor.u32 v3, v17;
	v22 =	vld.idx.msk [tilespmem:v22+s10+$0x0], $0xffff  }
0x9d: {  	v19 =	vand.u32 $0x7F, v19;
	v18 =	vor.u32 v1, v18;
	v21 =	vld.idx.msk [tilespmem:v21+s10+$0x0], $0xffff  }
0x9e: {  	v20 =	vand.u32 $0x7F, v20;
	v19 =	vor.u32 v2, v19;
	v24 =	vld.idx.msk [tilespmem:v24+s10+$0x0], $0xffff  }
0x9f: {  	v20 =	vor.u32 v0, v20;
	v23 =	vld.idx.msk [tilespmem:v23+s10+$0x0], $0xffff  }
0xa0: {  	v16 =	vld.idx.msk [tilespmem:v16+s13+$0x0], $0xffff  }
0xa1: {  	p0 =	seq.s32 s19, $0x1680;
	v17 =	vld.idx.msk [tilespmem:v17+s13+$0x0], $0xffff  }
0xa2: {  	s19 =	sshra.s32 @!p0 s19, $0x2;
	v18 =	vld.idx.msk [tilespmem:v18+s13+$0x0], $0xffff  }
0xa3: {  	s22 =	simm.s32 @!p0 $0x16A8;
	s19 =	sadd.s32 @!p0 $0x1108, s19;
	s21 =	simm.s32 @!p0 $0x50;
	v19 =	vld.idx.msk [tilespmem:v19+s13+$0x0], $0xffff  }
0xa4: {  	v20 =	vld.idx.msk [tilespmem:v20+s13+$0x0], $0xffff;
	[tilespmem:s22], [sflag:$0x1] =	stream.indirect.gather @!p0 [hbm4b:s3+s21], $0x80, s19, s21, $0xb8  }
0xa5: {  	v7 =	vsub.f32 v9, v7;
	v11 =	vadd.f32 v12, v11;
	_ =	swait.ge [sflag:s16], $0x2800  }
0xa6: {  	[sflag:s16] =	ssyncset.done $0x0  }
0xa7: {  	v6 =	vsub.f32 v8, v6;
	v7 =	vadd.f32 v7, v11;
	[sflag:s16] =	ssyncadd.s32 $0xFFFFD800  }
0xa8: {  	v52 =	vld [tilespmem:s20+$0x690]  }
0xa9: {  	v5 =	vsub.f32 v10, v5;
	v6 =	vadd.f32 v6, v7;
	v7 =	vld [tilespmem:s20+$0x6A0]  }
0xaa: {  	v53 =	vld [tilespmem:s20+$0x50]  }
0xab: {  	v5 =	vadd.f32 v5, v6;
	v6 =	vsub.f32 v13, v14;
	v54 =	vld [tilespmem:s20+$0x6B0]  }
0xac: {  	v55 =	vld [tilespmem:s20+$0x60]  }
0xad: {  	v5 =	vadd.f32 v6, v5;
	v56 =	vld [tilespmem:s20+$0x6C0];
	v6 =	vand.u32 $0x7F, v52  }
0xae: {  	v58 =	vld [tilespmem:s20+$0x70];
	v57 =	vsub.f32 v22, v20;
	v6 =	vor.u32 v0, v6  }
0xaf: {  	v59 =	vld [tilespmem:s20+$0x6D0];
	v7 =	vand.u32 $0x7F, v7  }
0xb0: {  	v60 =	vld [tilespmem:s20+$0x80];
	v18 =	vsub.f32 v21, v18;
	v5 =	vadd.f32 v57, v5;
	v7 =	vor.u32 v1, v7  }
0xb1: {  	v61 =	vld [tilespmem:s20+$0x90];
	v10 =	vand.u32 $0x7F, v54  }
0xb2: {  	v19 =	vsub.f32 v23, v19;
	v5 =	vadd.f32 v18, v5;
	v10 =	vor.u32 v2, v10;
	v9 =	vld.idx.msk [tilespmem:v53+s10+$0x0], $0xffff  }
0xb3: {  	v8 =	vand.u32 $0x7F, v56;
	v6 =	vld.idx.msk [tilespmem:v6+s14+$0x0], $0xffff  }
0xb4: {  	v15 =	vsub.f32 v15, v17;
	v8 =	vor.u32 v3, v8;
	v5 =	vadd.f32 v19, v5;
	v11 =	vld.idx.msk [tilespmem:v55+s10+$0x0], $0xffff  }
0xb5: {  	v14 =	vand.u32 $0x7F, v59;
	v7 =	vld.idx.msk [tilespmem:v7+s14+$0x0], $0xffff  }
0xb6: {  	v16 =	vsub.f32 v24, v16;
	v14 =	vor.u32 v4, v14;
	v13 =	vld.idx.msk [tilespmem:v58+s10+$0x0], $0xffff;
	v5 =	vadd.f32 v15, v5  }
0xb7: {  	v10 =	vld.idx.msk [tilespmem:v10+s14+$0x0], $0xffff  }
0xb8: {  	v62 =	vld.idx.msk [tilespmem:v60+s10+$0x0], $0xffff;
	v5 =	vadd.f32 v16, v5;
	v6 =	vsub.f32 v9, v6  }
0xb9: {  	v8 =	vld.idx.msk [tilespmem:v8+s14+$0x0], $0xffff  }
0xba: {  	v63 =	vld.idx.msk [tilespmem:v61+s10+$0x0], $0xffff;
	v5 =	vadd.f32 v6, v5;
	v6 =	vsub.f32 v11, v7  }
0xbb: {  	v7 =	vld.idx.msk [tilespmem:v14+s14+$0x0], $0xffff  }
0xbc: {  	v5 =	vadd.f32 v6, v5;
	v6 =	vsub.f32 v13, v10;
	_ =	sdelay $0x1  }
0xbd: {  	v5 =	vadd.f32 v6, v5;
	v6 =	vsub.f32 v62, v8;
	_ =	sdelay $0x1  }
0xbe: {  	v5 =	vadd.f32 v6, v5;
	v6 =	vsub.f32 v63, v7;
	_ =	sdelay $0x1  }
0xbf: {  	s18 =	sadd.s32 $0x1, s18;
	v5 =	vadd.f32 v6, v5  }
0xc0: {  	p0 =	sne.s32 s18, s8  }
.Ltmp2:
0xc1: {  	[tilespmem:$0x66A8] =	vst v5;
	(pc) =	sbr.rel @p0 .LBB2_1-.Ltmp2, $4  }
0xc2: {  	[hbm4b:s7+s2] =	stream.linear.scatter [tilespmem:s17], [sflag:$0x3], $0x10, $0x38;
	[tilespmem:$0x66B8] =	vst v63  }
0xc3: {  	_ =	swait.ge [sflag:s9], $0x10  }
0xc4: {  	[sflag:s9] =	ssyncset.done $0x0  }
0xc5: {  	[sflag:s9] =	ssyncadd.s32 $0xFFFFFFF0  }
0xc6: {  	_ =	sfence.sel $0x180000  }
0xc7: {  	[bflag:$0x0] =	sbarrier.arrive $0xFFFF  }
0xc8: {  	p0 =	sne.s32 s0, $0x0;
	_ =	strace $0x9000004D  }
0xc9: {  	s0 =	sadd.s32 @!p0 $0x100000, s1;
	[bflag:$0x2] =	sbarrier.arrive $0xFFFF  }
0xca: {  	[sflag:s0] =	ssyncadd.tile.s32 @!p0 $0x1;
	_ =	shalt  }
.Lfunc_end2:
_tile_overlayer_lowered:
.L_overlay_start_2:
0xcb: {  	(tag) =	ssettag $0x2  }
0xcc: {  	s0 =	rddreg [dreg:$0x0];
	s2 =	stileid.u32  }
0xcd: {  	s1 =	rddreg [dreg:$0x1];
	p0 =	sne.s32 s2, $0x0  }
0xce: {  	s3 =	rddreg [dreg:$0x2];
	[bflag:$0x3] =	sbarrier.arrive $0xFFFF;
	s2 =	simm.s32 @!p0 $0x1C03  }
0xcf: {  	[timem:s3], [sflag:s2] =	dma.local @!p0 [hbm:s0], s1  }
0xd0: {  	s0 =	simm.s32 @!p0 $0x3  }
0xd1: {  	_ =	swait.ge @!p0 [sflag:s0], s1  }
0xd2: {  	s1 =	ssub.s32 @!p0 $0x0, s1;
	[sflag:s0] =	ssyncset.done @!p0 $0x0  }
0xd3: {  	[sflag:s0] =	ssyncadd.s32 @!p0 s1  }
0xd4: {  	[bflag:$0x3] =	sbarrier.arrive $0xFFFF  }
0xd5: {  	_ =	shalt  }

</sc_bundles>
